<compile_context>
chip_gen: v7x
topology: tpu7x:2x2x1
jax: 0.10.2.dev20260603
libtpu: 0.0.44.dev20260713+nightly
codegen_flags: <defaults>
</compile_context>

<pallas_src>
import dataclasses
import functools

import jax
import jax.numpy as jnp
from jax import lax
from jax.experimental import pallas as pl
from jax.experimental.pallas import tpu as pltpu
from jax.experimental.pallas import tpu_sc as plsc

LIMIT = 200
NEG = float("-inf")
CAND_MAX = 544
SORT_PAD = 208
OUT_PAD = 1008


def _peaks_body(h_ref, o_ref, t_ref):
    x = h_ref[:, 0]
    B = x.shape[0]
    left = jnp.concatenate([jnp.full((B, 256, 1), NEG, jnp.float32), x[:, :, :-1]], axis=2)
    right = jnp.concatenate([x[:, :, 1:], jnp.full((B, 256, 1), NEG, jnp.float32)], axis=2)
    hmax = jnp.maximum(jnp.maximum(left, right), x)
    up = jnp.concatenate([jnp.full((B, 1, 256), NEG, jnp.float32), hmax[:, :-1, :]], axis=1)
    down = jnp.concatenate([hmax[:, 1:, :], jnp.full((B, 1, 256), NEG, jnp.float32)], axis=1)
    pooled = jnp.maximum(jnp.maximum(up, down), hmax)
    peaks = jnp.where(pooled == x, x, jnp.zeros_like(x))
    o_ref[...] = peaks.reshape(B, 512, 128)

    pb = lax.bitcast_convert_type(peaks, jnp.int32)

    def step(i, t):
        t_try = t | lax.shift_left(jnp.int32(1), jnp.int32(29) - i)
        cnt = jnp.sum((pb >= t_try).astype(jnp.int32), axis=(1, 2), keepdims=True)
        return jnp.where(cnt >= LIMIT, t_try, t)

    t_bits = lax.fori_loop(0, 30, step, jnp.zeros((B, 1, 1), jnp.int32))
    t_f = lax.bitcast_convert_type(t_bits, jnp.float32)
    t_ref[...] = jnp.broadcast_to(t_f, (B, 1, 128))


def _sc_body(pk_hbm, th_hbm, sz_hbm, out_hbm,
             pk, tv, cv, ci, cvec, mg_cv, mg_ci, rk, svl, sil, riw, rih,
             wr, hr, ob, sh_cnt, sh_cv, sh_ci, sh_rk, sem):
    s = lax.axis_index("s")
    c = lax.axis_index("c")
    b = c * 8 + lax.shift_right_logical(s, 1)
    h = s & 1
    iota = lax.iota(jnp.int32, 16)

    pltpu.sync_copy(th_hbm.at[pl.ds(b * 128, 16)], tv)
    pltpu.sync_copy(pk_hbm.at[pl.ds(b * 65536 + h * 32768, 32768)], pk)
    t = tv[...]

    @pl.loop(0, CAND_MAX // 16)
    def _(k):
        cv[pl.ds(k * 16, 16)] = jnp.full((16,), -1.0, jnp.float32)

    def scan_step(i, cnt):
        v = pk[pl.ds(i * 16, 16)]
        m = v >= t

        def append():
            pos = cnt + plsc.cumsum(m.astype(jnp.int32)) - 1
            mm = m & (pos < CAND_MAX)
            plsc.store_scatter(cv, [pos], v, mask=mm)
            plsc.store_scatter(ci, [pos], h * 32768 + i * 16 + iota, mask=mm)
            return cnt + jnp.sum(m.astype(jnp.int32))

        return lax.cond(jnp.any(m), append, lambda: cnt)

    cnt = lax.fori_loop(0, 2048, scan_step, jnp.int32(0))
    cnt = jnp.minimum(cnt, jnp.int32(CAND_MAX))

    cvec[...] = jnp.broadcast_to(cnt, (16,))
    pltpu.sync_copy(cv, sh_cv.at[pl.ds(s * CAND_MAX, CAND_MAX)])
    pltpu.sync_copy(ci, sh_ci.at[pl.ds(s * CAND_MAX, CAND_MAX)])
    pltpu.sync_copy(cvec, sh_cnt.at[pl.ds(s * 16, 16)])
    plsc.subcore_barrier()
    lo_sid = s & ~jnp.int32(1)
    pltpu.sync_copy(sh_cv.at[pl.ds(lo_sid * CAND_MAX, CAND_MAX)], mg_cv.at[pl.ds(0, CAND_MAX)])
    pltpu.sync_copy(sh_cv.at[pl.ds((lo_sid + 1) * CAND_MAX, CAND_MAX)], mg_cv.at[pl.ds(CAND_MAX, CAND_MAX)])
    pltpu.sync_copy(sh_ci.at[pl.ds(lo_sid * CAND_MAX, CAND_MAX)], mg_ci.at[pl.ds(0, CAND_MAX)])
    pltpu.sync_copy(sh_ci.at[pl.ds((lo_sid + 1) * CAND_MAX, CAND_MAX)], mg_ci.at[pl.ds(CAND_MAX, CAND_MAX)])
    pltpu.sync_copy(sh_cnt.at[pl.ds((lo_sid + 1 - h) * 16, 16)], cvec)
    cnt_p = cvec[...][0]
    cnt_lo = jnp.where(h == 0, cnt, cnt_p)
    cnt_hi = jnp.where(h == 0, cnt_p, cnt)

    @pl.loop(0, CAND_MAX // 16)
    def _(k):
        rk[pl.ds(h * CAND_MAX + k * 16, 16)] = jnp.zeros((16,), jnp.int32)

    ch0 = h * (CAND_MAX // 16)
    nch = ch0 + ((cnt + 15) >> 4)

    def rank_seg(j_base, j_cnt):
        def rank_j(jj, _):
            j = j_base + jj
            vj = plsc.load_gather(mg_cv, [jnp.broadcast_to(j, (16,))])

            def rank_chunk(cc, _):
                vi = mg_cv[pl.ds(cc * 16, 16)]
                ivec = cc * 16 + iota
                beat = (vj > vi) | ((vj == vi) & (j < ivec))
                rk[pl.ds(cc * 16, 16)] += beat.astype(jnp.int32)
                return 0

            return lax.fori_loop(ch0, nch, rank_chunk, 0)

        lax.fori_loop(0, j_cnt, rank_j, 0)

    rank_seg(jnp.int32(0), cnt_lo)
    rank_seg(jnp.int32(CAND_MAX), cnt_hi)

    pltpu.sync_copy(rk.at[pl.ds(h * CAND_MAX, CAND_MAX)], sh_rk.at[pl.ds(s * CAND_MAX, CAND_MAX)])
    plsc.subcore_barrier()
    pltpu.sync_copy(sh_rk.at[pl.ds((lo_sid + 1 - h) * CAND_MAX, CAND_MAX)], rk.at[pl.ds((1 - h) * CAND_MAX, CAND_MAX)])

    lo_r = h * 96
    n_r = 96 + h * 8

    def place_seg(c_base, seg_cnt):
        def place(k, _):
            cc = c_base + k
            v = mg_cv[pl.ds(cc * 16, 16)]
            r = rk[pl.ds(cc * 16, 16)]
            m = (v >= 0) & (r >= lo_r) & (r < lo_r + n_r)
            plsc.store_scatter(svl, [r - lo_r], v, mask=m)
            plsc.store_scatter(sil, [r - lo_r], mg_ci[pl.ds(cc * 16, 16)], mask=m)
            return 0

        lax.fori_loop(0, (seg_cnt + 15) >> 4, place, 0)

    place_seg(jnp.int32(0), cnt_lo)
    place_seg(jnp.int32(CAND_MAX // 16), cnt_hi)

    @pl.loop(0, 7)
    def _(k):
        si16 = sil[pl.ds(k * 16, 16)] & 65535
        row = lax.shift_right_logical(si16, 7)
        riw[pl.ds(k * 16, 16)] = b * 1024 + row
        rih[pl.ds(k * 16, 16)] = b * 1024 + 512 + row

    c1 = pltpu.async_copy(sz_hbm.at[riw], wr, sem)
    c2 = pltpu.async_copy(sz_hbm.at[rih], hr, sem)
    c1.wait()
    c2.wait()

    @pl.loop(0, 7)
    def _(k):
        r_out = k * 16 + iota
        m = r_out < n_r
        si16 = sil[pl.ds(k * 16, 16)] & 65535
        col = si16 & 127
        row_sel = k * 16 + iota
        w = plsc.load_gather(wr, [row_sel, col])
        hh = plsc.load_gather(hr, [row_sel, col])
        xx = (si16 & 255).astype(jnp.float32)
        yy = lax.shift_right_logical(si16, 8).astype(jnp.float32)
        cx = xx * (1.0 / 256.0)
        cy = yy * (1.0 / 256.0)
        base = r_out * 5
        plsc.store_scatter(ob, [base], cx - w * 0.5, mask=m)
        plsc.store_scatter(ob, [base + 1], cy - hh * 0.5, mask=m)
        plsc.store_scatter(ob, [base + 2], cx + w * 0.5, mask=m)
        plsc.store_scatter(ob, [base + 3], cy + hh * 0.5, mask=m)
        plsc.store_scatter(ob, [base + 4], svl[pl.ds(k * 16, 16)], mask=m)

    @pl.when(h == 0)
    def _():
        pltpu.sync_copy(ob.at[pl.ds(0, 480)], out_hbm.at[pl.ds(b * OUT_PAD, 480)])

    @pl.when(h == 1)
    def _():
        pltpu.sync_copy(ob, out_hbm.at[pl.ds(b * OUT_PAD + 480, 528)])


def kernel(heatmap, sizemap):
    B, _, H, W = heatmap.shape
    peaks, thresh = pl.pallas_call(
        _peaks_body,
        in_specs=[pl.BlockSpec((B, 1, H, W), lambda: (0, 0, 0, 0))],
        out_specs=[
            pl.BlockSpec((B, 512, 128), lambda: (0, 0, 0)),
            pl.BlockSpec((B, 1, 128), lambda: (0, 0, 0)),
        ],
        out_shape=[
            jax.ShapeDtypeStruct((B, 512, 128), jnp.float32),
            jax.ShapeDtypeStruct((B, 1, 128), jnp.float32),
        ],
    )(heatmap)

    pk_flat = peaks.reshape(B * H * W)
    th_flat = thresh.reshape(B * 128)
    sz_rows = sizemap.reshape(B * 2 * 512, 128)

    mesh = plsc.VectorSubcoreMesh(core_axis_name="c", subcore_axis_name="s")
    cp = pltpu.CompilerParams()
    if "needs_layout_passes" in pltpu.CompilerParams.__dataclass_fields__:
        cp = dataclasses.replace(cp, needs_layout_passes=False)
    sc = pl.kernel(
        _sc_body,
        mesh=mesh,
        compiler_params=cp,
        out_type=jax.ShapeDtypeStruct((B * OUT_PAD,), jnp.float32),
        scratch_types=[
            pltpu.VMEM((32768,), jnp.float32),
            pltpu.VMEM((16,), jnp.float32),
            pltpu.VMEM((CAND_MAX,), jnp.float32),
            pltpu.VMEM((CAND_MAX,), jnp.int32),
            pltpu.VMEM((16,), jnp.int32),
            pltpu.VMEM((2 * CAND_MAX,), jnp.float32),
            pltpu.VMEM((2 * CAND_MAX,), jnp.int32),
            pltpu.VMEM((2 * CAND_MAX,), jnp.int32),
            pltpu.VMEM((112,), jnp.float32),
            pltpu.VMEM((112,), jnp.int32),
            pltpu.VMEM((112,), jnp.int32),
            pltpu.VMEM((112,), jnp.int32),
            pltpu.VMEM((112, 128), jnp.float32),
            pltpu.VMEM((112, 128), jnp.float32),
            pltpu.VMEM((528,), jnp.float32),
            pltpu.VMEM_SHARED((16 * 16,), jnp.int32),
            pltpu.VMEM_SHARED((16 * CAND_MAX,), jnp.float32),
            pltpu.VMEM_SHARED((16 * CAND_MAX,), jnp.int32),
            pltpu.VMEM_SHARED((16 * CAND_MAX,), jnp.int32),
            pltpu.SemaphoreType.DMA,
        ],
    )
    out = sc(pk_flat, th_flat, sz_rows)
    return out.reshape(B, OUT_PAD)[:, : LIMIT * 5].reshape(B, LIMIT, 5)

# --- scband reference (transcript-rebuilt; emitter-appended) ---
"""Pipeline reference for scband-to-boxes-31808527794319 (READ-ONLY COPY).

The authoritative reference and input builder live on the scoring server;
editing this copy changes nothing except your own understanding.
"""

import jax, jax.numpy as jnp
import numpy as np

LIMIT = 200

def _max_pool3(x):
    # x: [B, C, H, W]; 3x3 max pool, stride 1, padding 1 (keypoint NMS)
    return jax.lax.reduce_window(
        x, -jnp.inf, jax.lax.max,
        window_dimensions=(1, 1, 3, 3),
        window_strides=(1, 1, 1, 1),
        padding=[(0, 0), (0, 0), (1, 1), (1, 1)])

def setup_inputs(seed: int = 0) -> dict:
    key = jax.random.key(seed)
    k1, k2 = jax.random.split(key)
    B, H, W = 16, 256, 256
    heatmap = jax.random.uniform(k1, (B, 1, H, W), dtype=jnp.float32)
    sizemap = jax.random.uniform(k2, (B, 2, H, W), dtype=jnp.float32)
    return {"heatmap": heatmap, "sizemap": sizemap}

def reference(heatmap, sizemap):
    B, _, H, W = heatmap.shape
    # peak NMS: keep only local maxima of the heatmap
    pooled = _max_pool3(heatmap)
    peaks = jnp.where(pooled == heatmap, heatmap, jnp.zeros_like(heatmap))
    flat = peaks.reshape(B, H * W)
    # top-k peaks per image
    scores, idx = jax.lax.top_k(flat, LIMIT)            # [B, limit]
    yy = (idx // W).astype(jnp.float32)
    xx = (idx % W).astype(jnp.float32)
    size_flat = sizemap.reshape(B, 2, H * W)
    w = jnp.take_along_axis(size_flat[:, 0, :], idx, axis=1)
    h = jnp.take_along_axis(size_flat[:, 1, :], idx, axis=1)
    cx = xx / W
    cy = yy / H
    boxes = jnp.stack([cx - w / 2.0, cy - h / 2.0, cx + w / 2.0, cy + h / 2.0], axis=-1)  # [B, limit, 4]
    out = jnp.concatenate([boxes, scores[..., None]], axis=-1)  # [B, limit, 5]
    return out

if __name__ == "__main__":
    import jax
    _d = setup_inputs()
    print(jax.jit(kernel)(*tuple(_d.values())))

</pallas_src>

<mosaic_0001>
#map = affine_map<(d0, d1) -> (0)>
#map1 = affine_map<(d0, d1) -> (0, 0)>
module attributes {stable_mosaic.version = 14 : i64} {
  func.func @_sc_body(%arg0: i32, %arg1: i32, %arg2: memref<1048576xf32, #tpu.memory_space<hbm>>, %arg3: memref<2048xf32, #tpu.memory_space<hbm>>, %arg4: memref<16384x128xf32, #tpu.memory_space<hbm>>, %arg5: memref<16128xf32, #tpu.memory_space<hbm>>, %arg6: memref<32768xf32, #tpu.memory_space<vmem>>, %arg7: memref<16xf32, #tpu.memory_space<vmem>>, %arg8: memref<544xf32, #tpu.memory_space<vmem>>, %arg9: memref<544xi32, #tpu.memory_space<vmem>>, %arg10: memref<16xi32, #tpu.memory_space<vmem>>, %arg11: memref<1088xf32, #tpu.memory_space<vmem>>, %arg12: memref<1088xi32, #tpu.memory_space<vmem>>, %arg13: memref<1088xi32, #tpu.memory_space<vmem>>, %arg14: memref<112xf32, #tpu.memory_space<vmem>>, %arg15: memref<112xi32, #tpu.memory_space<vmem>>, %arg16: memref<112xi32, #tpu.memory_space<vmem>>, %arg17: memref<112xi32, #tpu.memory_space<vmem>>, %arg18: memref<112x128xf32, #tpu.memory_space<vmem>>, %arg19: memref<112x128xf32, #tpu.memory_space<vmem>>, %arg20: memref<528xf32, #tpu.memory_space<vmem>>, %arg21: memref<256xi32, #tpu.memory_space<vmem_shared>>, %arg22: memref<8704xf32, #tpu.memory_space<vmem_shared>>, %arg23: memref<8704xi32, #tpu.memory_space<vmem_shared>>, %arg24: memref<8704xi32, #tpu.memory_space<vmem_shared>>, %arg25: memref<!tpu.dma_semaphore, #tpu.memory_space<semaphore_mem>>) attributes {dimension_semantics = [#tpu.dimension_semantics<core_parallel>, #tpu.dimension_semantics<subcore_parallel>], iteration_bounds = array<i64: 2, 16>, scalar_prefetch = 0 : i64, scratch_operands = 20 : i64, tpu.core_type = #tpu.core_type<sc_vector_subcore>, window_params = [{transform_indices = #map}, {transform_indices = #map}, {transform_indices = #map1}, {transform_indices = #map}]} {
    %mul3A = arith.constant 8 : i32
    %mul3A_0 = arith.muli %arg0, %mul3A : i32
    %shift_right_logical3A = arith.constant 1 : i32
    %shift_right_logical3A_1 = arith.shrui %arg1, %shift_right_logical3A : i32
    %add3A = arith.addi %mul3A_0, %shift_right_logical3A_1 : i32
    %and3A = arith.constant 1 : i32
    %and3A_2 = arith.andi %arg1, %and3A : i32
    %iota3A = tpu.iota {dimensions = array<i32: 0>} : vector<16xi32>
    %mul3A_3 = arith.constant 128 : i32
    %mul3A_4 = arith.muli %add3A, %mul3A_3 : i32
    "tpu.region"() ({
      %run_scoped3A = tpu.sem_alloc : memref<!tpu.dma_semaphore, #tpu.memory_space<semaphore_mem>>
      %dma_start3A_173 = tpu.memref_slice %arg3[%mul3A_4] : memref<2048xf32, #tpu.memory_space<hbm>> -> memref<16xf32, #tpu.memory_space<hbm>>
      %dma_start3A_174 = tpu.memref_slice %arg3[%mul3A_4] : memref<2048xf32, #tpu.memory_space<hbm>> -> memref<16xf32, #tpu.memory_space<hbm>>
      tpu.enqueue_dma source(%dma_start3A_174 : memref<16xf32, #tpu.memory_space<hbm>>) target(%arg7 : memref<16xf32, #tpu.memory_space<vmem>>) target_semaphore(%run_scoped3A : memref<!tpu.dma_semaphore, #tpu.memory_space<semaphore_mem>>)
      %dma_wait3A_175 = tpu.memref_slice %arg3[%mul3A_4] : memref<2048xf32, #tpu.memory_space<hbm>> -> memref<16xf32, #tpu.memory_space<hbm>>
      %dma_wait3A_176 = tpu.memref_slice %arg3[%mul3A_4] : memref<2048xf32, #tpu.memory_space<hbm>> -> memref<16xf32, #tpu.memory_space<hbm>>
      tpu.wait_dma2 semaphore(%run_scoped3A : memref<!tpu.dma_semaphore, #tpu.memory_space<semaphore_mem>>) src(%dma_wait3A_176 : memref<16xf32, #tpu.memory_space<hbm>>) dst(%arg7 : memref<16xf32, #tpu.memory_space<vmem>>)
      tpu.yield
    }) : () -> ()
    %mul3A_5 = arith.constant 65536 : i32
    %mul3A_6 = arith.muli %add3A, %mul3A_5 : i32
    %mul3A_7 = arith.constant 32768 : i32
    %mul3A_8 = arith.muli %and3A_2, %mul3A_7 : i32
    %add3A_9 = arith.addi %mul3A_6, %mul3A_8 : i32
    "tpu.region"() ({
      %run_scoped3A = tpu.sem_alloc : memref<!tpu.dma_semaphore, #tpu.memory_space<semaphore_mem>>
      %dma_start3A_173 = tpu.memref_slice %arg2[%add3A_9] : memref<1048576xf32, #tpu.memory_space<hbm>> -> memref<32768xf32, #tpu.memory_space<hbm>>
      %dma_start3A_174 = tpu.memref_slice %arg2[%add3A_9] : memref<1048576xf32, #tpu.memory_space<hbm>> -> memref<32768xf32, #tpu.memory_space<hbm>>
      tpu.enqueue_dma source(%dma_start3A_174 : memref<32768xf32, #tpu.memory_space<hbm>>) target(%arg6 : memref<32768xf32, #tpu.memory_space<vmem>>) target_semaphore(%run_scoped3A : memref<!tpu.dma_semaphore, #tpu.memory_space<semaphore_mem>>)
      %dma_wait3A_175 = tpu.memref_slice %arg2[%add3A_9] : memref<1048576xf32, #tpu.memory_space<hbm>> -> memref<32768xf32, #tpu.memory_space<hbm>>
      %dma_wait3A_176 = tpu.memref_slice %arg2[%add3A_9] : memref<1048576xf32, #tpu.memory_space<hbm>> -> memref<32768xf32, #tpu.memory_space<hbm>>
      tpu.wait_dma2 semaphore(%run_scoped3A : memref<!tpu.dma_semaphore, #tpu.memory_space<semaphore_mem>>) src(%dma_wait3A_176 : memref<32768xf32, #tpu.memory_space<hbm>>) dst(%arg6 : memref<32768xf32, #tpu.memory_space<vmem>>)
      tpu.yield
    }) : () -> ()
    %get3A = arith.constant 0 : index
    %get3A_10 = tpu.vector_load %arg7[%get3A] {strides = array<i32>} : memref<16xf32, #tpu.memory_space<vmem>>, vector<16xf32>,
    %scan3A = arith.constant 0 : i32
    %scan3A_11 = arith.constant 34 : i32
    %scan3A_12 = arith.addi %scan3A, %scan3A_11 : i32
    %scan3A_13 = arith.constant 1 : i32
    scf.for %scan3A_173 = %scan3A to %scan3A_12 step %scan3A_13  : i32 {
      %mul3A_174 = arith.constant 1 : i32
      %mul3A_175 = arith.muli %scan3A_173, %mul3A_174 : i32
      %add3A_176 = arith.constant 0 : i32
      %add3A_177 = arith.addi %add3A_176, %mul3A_175 : i32
      %broadcast_in_dim3A_178 = arith.constant -1.000000e+00 : f32
      %broadcast_in_dim3A_179 = vector.broadcast %broadcast_in_dim3A_178 : f32 to vector<16xf32>
      %mul3A_180 = arith.constant 16 : i32
      %mul3A_181 = arith.muli %add3A_177, %mul3A_180 : i32
      %swap3A_182 = arith.index_cast %mul3A_181 : i32 to index
      %swap3A_183 = tpu.vector_load %arg8[%swap3A_182] {strides = array<i32>} : memref<544xf32, #tpu.memory_space<vmem>>, vector<16xf32>,
      tpu.vector_store %arg8[%swap3A_182], %broadcast_in_dim3A_179 {strides = array<i32>} : memref<544xf32, #tpu.memory_space<vmem>>, vector<16xf32>,
    }
    %scan3A_14 = arith.constant 34 : i32
    %scan3A_15 = arith.constant 0 : i32
    %scan3A_16 = arith.constant 0 : i32
    %scan3A_17 = arith.constant 2048 : i32
    %scan3A_18 = arith.addi %scan3A_16, %scan3A_17 : i32
    %scan3A_19 = arith.constant 1 : i32
    %scan3A_20 = scf.for %scan3A_173 = %scan3A_16 to %scan3A_18 step %scan3A_19 iter_args(%scan3A_174 = %scan3A_15) -> (i32)  : i32 {
      %mul3A_175 = arith.constant 16 : i32
      %mul3A_176 = arith.muli %scan3A_173, %mul3A_175 : i32
      %get3A_177 = arith.index_cast %mul3A_176 : i32 to index
      %get3A_178 = tpu.vector_load %arg6[%get3A_177] {strides = array<i32>} : memref<32768xf32, #tpu.memory_space<vmem>>, vector<16xf32>,
      %ge3A = arith.cmpf oge, %get3A_178, %get3A_10 : vector<16xf32>
      %reduce_or3A = arith.constant 1.000000e+00 : f32
      %reduce_or3A_179 = arith.constant 0.000000e+00 : f32
      %reduce_or3A_180 = vector.broadcast %reduce_or3A : f32 to vector<16xf32>
      %reduce_or3A_181 = vector.broadcast %reduce_or3A_179 : f32 to vector<16xf32>
      %reduce_or3A_182 = arith.select %ge3A, %reduce_or3A_180, %reduce_or3A_181 : vector<16xi1>, vector<16xf32>
      %reduce_or3A_183 = arith.constant true
      %reduce_or3A_184 = vector.broadcast %reduce_or3A_183 : i1 to vector<16xi1>
      %reduce_or3A_185 = tpu.scan <max>, %reduce_or3A_182 masked %reduce_or3A_184 : vector<16xf32>, vector<16xi1> -> vector<16xf32>
      %reduce_or3A_186 = vector.extract %reduce_or3A_185[15] : f32 from vector<16xf32>
      %reduce_or3A_187 = arith.constant 0.000000e+00 : f32
      %reduce_or3A_188 = arith.cmpf ogt, %reduce_or3A_186, %reduce_or3A_187 : f32
      %convert_element_type3A_189 = arith.extui %reduce_or3A_188 : i1 to i32
      %cond3A_190 = arith.constant 0 : i32
      %cond3A_191 = arith.cmpi ne, %convert_element_type3A_189, %cond3A_190 : i32
      %cond3A_192 = scf.if %cond3A_191 -> (i32) {
        %convert_element_type3A_193 = arith.extui %ge3A : vector<16xi1> to vector<16xi32>
        %broadcast_in_dim3A_194 = arith.constant true
        %broadcast_in_dim3A_195 = vector.broadcast %broadcast_in_dim3A_194 : i1 to vector<16xi1>
        %masked_cumsum3A = tpu.scan <sum>, %convert_element_type3A_193 masked %broadcast_in_dim3A_195 : vector<16xi32>, vector<16xi1> -> vector<16xi32>
        %add3A_196 = vector.broadcast %scan3A_174 : i32 to vector<16xi32>
        %add3A_197 = arith.addi %add3A_196, %masked_cumsum3A : vector<16xi32>
        %sub3A_198 = arith.constant 1 : i32
        %sub3A_199 = vector.broadcast %sub3A_198 : i32 to vector<16xi32>
        %sub3A_200 = arith.subi %add3A_197, %sub3A_199 : vector<16xi32>
        %lt3A = arith.constant 544 : i32
        %lt3A_201 = vector.broadcast %lt3A : i32 to vector<16xi32>
        %lt3A_202 = arith.cmpi slt, %sub3A_200, %lt3A_201 : vector<16xi32>
        %and3A_203 = arith.andi %ge3A, %lt3A_202 : vector<16xi1>
        tpu.vector_store_idx %arg8[%sub3A_200], %get3A_178 masked %and3A_203 : memref<544xf32, #tpu.memory_space<vmem>>[vector<16xi32>], vector<16xf32>, vector<16xi1>
        %mul3A_204 = arith.constant 32768 : i32
        %mul3A_205 = arith.muli %and3A_2, %mul3A_204 : i32
        %mul3A_206 = arith.constant 16 : i32
        %mul3A_207 = arith.muli %scan3A_173, %mul3A_206 : i32
        %add3A_208 = arith.addi %mul3A_205, %mul3A_207 : i32
        %add3A_209 = vector.broadcast %add3A_208 : i32 to vector<16xi32>
        %add3A_210 = arith.addi %add3A_209, %iota3A : vector<16xi32>
        tpu.vector_store_idx %arg9[%sub3A_200], %add3A_210 masked %and3A_203 : memref<544xi32, #tpu.memory_space<vmem>>[vector<16xi32>], vector<16xi32>, vector<16xi1>
        %convert_element_type3A_211 = arith.extui %ge3A : vector<16xi1> to vector<16xi32>
        %reduce_sum3A = arith.constant true
        %reduce_sum3A_212 = vector.broadcast %reduce_sum3A : i1 to vector<16xi1>
        %reduce_sum3A_213 = tpu.scan <sum>, %convert_element_type3A_211 masked %reduce_sum3A_212 : vector<16xi32>, vector<16xi1> -> vector<16xi32>
        %reduce_sum3A_214 = vector.extract %reduce_sum3A_213[15] : i32 from vector<16xi32>
        %add3A_215 = arith.addi %scan3A_174, %reduce_sum3A_214 : i32
        scf.yield %add3A_215 : i32
      } else {
        scf.yield %scan3A_174 : i32
      }
      scf.yield %cond3A_192 : i32
    }
    %scan3A_21 = arith.constant 2048 : i32
    %min3A = arith.constant 544 : i32
    %min3A_22 = arith.minsi %scan3A_20, %min3A : i32
    %broadcast_in_dim3A = vector.broadcast %min3A_22 : i32 to vector<16xi32>
    %swap3A = arith.constant 0 : index
    %swap3A_23 = tpu.vector_load %arg10[%swap3A] {strides = array<i32>} : memref<16xi32, #tpu.memory_space<vmem>>, vector<16xi32>,
    tpu.vector_store %arg10[%swap3A], %broadcast_in_dim3A {strides = array<i32>} : memref<16xi32, #tpu.memory_space<vmem>>, vector<16xi32>,
    %mul3A_24 = arith.constant 544 : i32
    %mul3A_25 = arith.muli %arg1, %mul3A_24 : i32
    "tpu.region"() ({
      %run_scoped3A = tpu.sem_alloc : memref<!tpu.dma_semaphore, #tpu.memory_space<semaphore_mem>>
      %dma_start3A_173 = tpu.memref_slice %arg22[%mul3A_25] : memref<8704xf32, #tpu.memory_space<vmem_shared>> -> memref<544xf32, #tpu.memory_space<vmem_shared>>
      %dma_start3A_174 = tpu.memref_slice %arg22[%mul3A_25] : memref<8704xf32, #tpu.memory_space<vmem_shared>> -> memref<544xf32, #tpu.memory_space<vmem_shared>>
      tpu.enqueue_dma source(%arg8 : memref<544xf32, #tpu.memory_space<vmem>>) target(%dma_start3A_174 : memref<544xf32, #tpu.memory_space<vmem_shared>>) target_semaphore(%run_scoped3A : memref<!tpu.dma_semaphore, #tpu.memory_space<semaphore_mem>>)
      %dma_wait3A_175 = tpu.memref_slice %arg22[%mul3A_25] : memref<8704xf32, #tpu.memory_space<vmem_shared>> -> memref<544xf32, #tpu.memory_space<vmem_shared>>
      %dma_wait3A_176 = tpu.memref_slice %arg22[%mul3A_25] : memref<8704xf32, #tpu.memory_space<vmem_shared>> -> memref<544xf32, #tpu.memory_space<vmem_shared>>
      tpu.wait_dma2 semaphore(%run_scoped3A : memref<!tpu.dma_semaphore, #tpu.memory_space<semaphore_mem>>) src(%arg8 : memref<544xf32, #tpu.memory_space<vmem>>) dst(%dma_wait3A_176 : memref<544xf32, #tpu.memory_space<vmem_shared>>)
      tpu.yield
    }) : () -> ()
    %mul3A_26 = arith.constant 544 : i32
    %mul3A_27 = arith.muli %arg1, %mul3A_26 : i32
    "tpu.region"() ({
      %run_scoped3A = tpu.sem_alloc : memref<!tpu.dma_semaphore, #tpu.memory_space<semaphore_mem>>
      %dma_start3A_173 = tpu.memref_slice %arg23[%mul3A_27] : memref<8704xi32, #tpu.memory_space<vmem_shared>> -> memref<544xi32, #tpu.memory_space<vmem_shared>>
      %dma_start3A_174 = tpu.memref_slice %arg23[%mul3A_27] : memref<8704xi32, #tpu.memory_space<vmem_shared>> -> memref<544xi32, #tpu.memory_space<vmem_shared>>
      tpu.enqueue_dma source(%arg9 : memref<544xi32, #tpu.memory_space<vmem>>) target(%dma_start3A_174 : memref<544xi32, #tpu.memory_space<vmem_shared>>) target_semaphore(%run_scoped3A : memref<!tpu.dma_semaphore, #tpu.memory_space<semaphore_mem>>)
      %dma_wait3A_175 = tpu.memref_slice %arg23[%mul3A_27] : memref<8704xi32, #tpu.memory_space<vmem_shared>> -> memref<544xi32, #tpu.memory_space<vmem_shared>>
      %dma_wait3A_176 = tpu.memref_slice %arg23[%mul3A_27] : memref<8704xi32, #tpu.memory_space<vmem_shared>> -> memref<544xi32, #tpu.memory_space<vmem_shared>>
      tpu.wait_dma2 semaphore(%run_scoped3A : memref<!tpu.dma_semaphore, #tpu.memory_space<semaphore_mem>>) src(%arg9 : memref<544xi32, #tpu.memory_space<vmem>>) dst(%dma_wait3A_176 : memref<544xi32, #tpu.memory_space<vmem_shared>>)
      tpu.yield
    }) : () -> ()
    %mul3A_28 = arith.constant 16 : i32
    %mul3A_29 = arith.muli %arg1, %mul3A_28 : i32
    "tpu.region"() ({
      %run_scoped3A = tpu.sem_alloc : memref<!tpu.dma_semaphore, #tpu.memory_space<semaphore_mem>>
      %dma_start3A_173 = tpu.memref_slice %arg21[%mul3A_29] : memref<256xi32, #tpu.memory_space<vmem_shared>> -> memref<16xi32, #tpu.memory_space<vmem_shared>>
      %dma_start3A_174 = tpu.memref_slice %arg21[%mul3A_29] : memref<256xi32, #tpu.memory_space<vmem_shared>> -> memref<16xi32, #tpu.memory_space<vmem_shared>>
      tpu.enqueue_dma source(%arg10 : memref<16xi32, #tpu.memory_space<vmem>>) target(%dma_start3A_174 : memref<16xi32, #tpu.memory_space<vmem_shared>>) target_semaphore(%run_scoped3A : memref<!tpu.dma_semaphore, #tpu.memory_space<semaphore_mem>>)
      %dma_wait3A_175 = tpu.memref_slice %arg21[%mul3A_29] : memref<256xi32, #tpu.memory_space<vmem_shared>> -> memref<16xi32, #tpu.memory_space<vmem_shared>>
      %dma_wait3A_176 = tpu.memref_slice %arg21[%mul3A_29] : memref<256xi32, #tpu.memory_space<vmem_shared>> -> memref<16xi32, #tpu.memory_space<vmem_shared>>
      tpu.wait_dma2 semaphore(%run_scoped3A : memref<!tpu.dma_semaphore, #tpu.memory_space<semaphore_mem>>) src(%arg10 : memref<16xi32, #tpu.memory_space<vmem>>) dst(%dma_wait3A_176 : memref<16xi32, #tpu.memory_space<vmem_shared>>)
      tpu.yield
    }) : () -> ()
    %barrier3A = arith.constant 0 : index
    tpu.barrier barrier_id(%barrier3A)
    %not3A = arith.constant 1 : i32
    %not3A_30 = arith.constant -1 : i32
    %not3A_31 = arith.xori %not3A, %not3A_30 : i32
    %and3A_32 = arith.andi %arg1, %not3A_31 : i32
    %mul3A_33 = arith.constant 544 : i32
    %mul3A_34 = arith.muli %and3A_32, %mul3A_33 : i32
    "tpu.region"() ({
      %run_scoped3A = tpu.sem_alloc : memref<!tpu.dma_semaphore, #tpu.memory_space<semaphore_mem>>
      %dma_start3A_173 = arith.constant 0 : i32
      %dma_start3A_174 = tpu.memref_slice %arg11[%dma_start3A_173] : memref<1088xf32, #tpu.memory_space<vmem>> -> memref<544xf32, #tpu.memory_space<vmem>>
      %dma_start3A_175 = tpu.memref_slice %arg22[%mul3A_34] : memref<8704xf32, #tpu.memory_space<vmem_shared>> -> memref<544xf32, #tpu.memory_space<vmem_shared>>
      %dma_start3A_176 = arith.constant 0 : i32
      %dma_start3A_177 = tpu.memref_slice %arg11[%dma_start3A_176] : memref<1088xf32, #tpu.memory_space<vmem>> -> memref<544xf32, #tpu.memory_space<vmem>>
      %dma_start3A_178 = tpu.memref_slice %arg22[%mul3A_34] : memref<8704xf32, #tpu.memory_space<vmem_shared>> -> memref<544xf32, #tpu.memory_space<vmem_shared>>
      tpu.enqueue_dma source(%dma_start3A_178 : memref<544xf32, #tpu.memory_space<vmem_shared>>) target(%dma_start3A_177 : memref<544xf32, #tpu.memory_space<vmem>>) target_semaphore(%run_scoped3A : memref<!tpu.dma_semaphore, #tpu.memory_space<semaphore_mem>>)
      %dma_wait3A_179 = arith.constant 0 : i32
      %dma_wait3A_180 = tpu.memref_slice %arg11[%dma_wait3A_179] : memref<1088xf32, #tpu.memory_space<vmem>> -> memref<544xf32, #tpu.memory_space<vmem>>
      %dma_wait3A_181 = tpu.memref_slice %arg22[%mul3A_34] : memref<8704xf32, #tpu.memory_space<vmem_shared>> -> memref<544xf32, #tpu.memory_space<vmem_shared>>
      %dma_wait3A_182 = arith.constant 0 : i32
      %dma_wait3A_183 = tpu.memref_slice %arg11[%dma_wait3A_182] : memref<1088xf32, #tpu.memory_space<vmem>> -> memref<544xf32, #tpu.memory_space<vmem>>
      %dma_wait3A_184 = tpu.memref_slice %arg22[%mul3A_34] : memref<8704xf32, #tpu.memory_space<vmem_shared>> -> memref<544xf32, #tpu.memory_space<vmem_shared>>
      tpu.wait_dma2 semaphore(%run_scoped3A : memref<!tpu.dma_semaphore, #tpu.memory_space<semaphore_mem>>) src(%dma_wait3A_184 : memref<544xf32, #tpu.memory_space<vmem_shared>>) dst(%dma_wait3A_183 : memref<544xf32, #tpu.memory_space<vmem>>)
      tpu.yield
    }) : () -> ()
    %add3A_35 = arith.constant 1 : i32
    %add3A_36 = arith.addi %and3A_32, %add3A_35 : i32
    %mul3A_37 = arith.constant 544 : i32
    %mul3A_38 = arith.muli %add3A_36, %mul3A_37 : i32
    "tpu.region"() ({
      %run_scoped3A = tpu.sem_alloc : memref<!tpu.dma_semaphore, #tpu.memory_space<semaphore_mem>>
      %dma_start3A_173 = arith.constant 544 : i32
      %dma_start3A_174 = tpu.memref_slice %arg11[%dma_start3A_173] : memref<1088xf32, #tpu.memory_space<vmem>> -> memref<544xf32, #tpu.memory_space<vmem>>
      %dma_start3A_175 = tpu.memref_slice %arg22[%mul3A_38] : memref<8704xf32, #tpu.memory_space<vmem_shared>> -> memref<544xf32, #tpu.memory_space<vmem_shared>>
      %dma_start3A_176 = arith.constant 544 : i32
      %dma_start3A_177 = tpu.memref_slice %arg11[%dma_start3A_176] : memref<1088xf32, #tpu.memory_space<vmem>> -> memref<544xf32, #tpu.memory_space<vmem>>
      %dma_start3A_178 = tpu.memref_slice %arg22[%mul3A_38] : memref<8704xf32, #tpu.memory_space<vmem_shared>> -> memref<544xf32, #tpu.memory_space<vmem_shared>>
      tpu.enqueue_dma source(%dma_start3A_178 : memref<544xf32, #tpu.memory_space<vmem_shared>>) target(%dma_start3A_177 : memref<544xf32, #tpu.memory_space<vmem>>) target_semaphore(%run_scoped3A : memref<!tpu.dma_semaphore, #tpu.memory_space<semaphore_mem>>)
      %dma_wait3A_179 = arith.constant 544 : i32
      %dma_wait3A_180 = tpu.memref_slice %arg11[%dma_wait3A_179] : memref<1088xf32, #tpu.memory_space<vmem>> -> memref<544xf32, #tpu.memory_space<vmem>>
      %dma_wait3A_181 = tpu.memref_slice %arg22[%mul3A_38] : memref<8704xf32, #tpu.memory_space<vmem_shared>> -> memref<544xf32, #tpu.memory_space<vmem_shared>>
      %dma_wait3A_182 = arith.constant 544 : i32
      %dma_wait3A_183 = tpu.memref_slice %arg11[%dma_wait3A_182] : memref<1088xf32, #tpu.memory_space<vmem>> -> memref<544xf32, #tpu.memory_space<vmem>>
      %dma_wait3A_184 = tpu.memref_slice %arg22[%mul3A_38] : memref<8704xf32, #tpu.memory_space<vmem_shared>> -> memref<544xf32, #tpu.memory_space<vmem_shared>>
      tpu.wait_dma2 semaphore(%run_scoped3A : memref<!tpu.dma_semaphore, #tpu.memory_space<semaphore_mem>>) src(%dma_wait3A_184 : memref<544xf32, #tpu.memory_space<vmem_shared>>) dst(%dma_wait3A_183 : memref<544xf32, #tpu.memory_space<vmem>>)
      tpu.yield
    }) : () -> ()
    %mul3A_39 = arith.constant 544 : i32
    %mul3A_40 = arith.muli %and3A_32, %mul3A_39 : i32
    "tpu.region"() ({
      %run_scoped3A = tpu.sem_alloc : memref<!tpu.dma_semaphore, #tpu.memory_space<semaphore_mem>>
      %dma_start3A_173 = arith.constant 0 : i32
      %dma_start3A_174 = tpu.memref_slice %arg12[%dma_start3A_173] : memref<1088xi32, #tpu.memory_space<vmem>> -> memref<544xi32, #tpu.memory_space<vmem>>
      %dma_start3A_175 = tpu.memref_slice %arg23[%mul3A_40] : memref<8704xi32, #tpu.memory_space<vmem_shared>> -> memref<544xi32, #tpu.memory_space<vmem_shared>>
      %dma_start3A_176 = arith.constant 0 : i32
      %dma_start3A_177 = tpu.memref_slice %arg12[%dma_start3A_176] : memref<1088xi32, #tpu.memory_space<vmem>> -> memref<544xi32, #tpu.memory_space<vmem>>
      %dma_start3A_178 = tpu.memref_slice %arg23[%mul3A_40] : memref<8704xi32, #tpu.memory_space<vmem_shared>> -> memref<544xi32, #tpu.memory_space<vmem_shared>>
      tpu.enqueue_dma source(%dma_start3A_178 : memref<544xi32, #tpu.memory_space<vmem_shared>>) target(%dma_start3A_177 : memref<544xi32, #tpu.memory_space<vmem>>) target_semaphore(%run_scoped3A : memref<!tpu.dma_semaphore, #tpu.memory_space<semaphore_mem>>)
      %dma_wait3A_179 = arith.constant 0 : i32
      %dma_wait3A_180 = tpu.memref_slice %arg12[%dma_wait3A_179] : memref<1088xi32, #tpu.memory_space<vmem>> -> memref<544xi32, #tpu.memory_space<vmem>>
      %dma_wait3A_181 = tpu.memref_slice %arg23[%mul3A_40] : memref<8704xi32, #tpu.memory_space<vmem_shared>> -> memref<544xi32, #tpu.memory_space<vmem_shared>>
      %dma_wait3A_182 = arith.constant 0 : i32
      %dma_wait3A_183 = tpu.memref_slice %arg12[%dma_wait3A_182] : memref<1088xi32, #tpu.memory_space<vmem>> -> memref<544xi32, #tpu.memory_space<vmem>>
      %dma_wait3A_184 = tpu.memref_slice %arg23[%mul3A_40] : memref<8704xi32, #tpu.memory_space<vmem_shared>> -> memref<544xi32, #tpu.memory_space<vmem_shared>>
      tpu.wait_dma2 semaphore(%run_scoped3A : memref<!tpu.dma_semaphore, #tpu.memory_space<semaphore_mem>>) src(%dma_wait3A_184 : memref<544xi32, #tpu.memory_space<vmem_shared>>) dst(%dma_wait3A_183 : memref<544xi32, #tpu.memory_space<vmem>>)
      tpu.yield
    }) : () -> ()
    %add3A_41 = arith.constant 1 : i32
    %add3A_42 = arith.addi %and3A_32, %add3A_41 : i32
    %mul3A_43 = arith.constant 544 : i32
    %mul3A_44 = arith.muli %add3A_42, %mul3A_43 : i32
    "tpu.region"() ({
      %run_scoped3A = tpu.sem_alloc : memref<!tpu.dma_semaphore, #tpu.memory_space<semaphore_mem>>
      %dma_start3A_173 = arith.constant 544 : i32
      %dma_start3A_174 = tpu.memref_slice %arg12[%dma_start3A_173] : memref<1088xi32, #tpu.memory_space<vmem>> -> memref<544xi32, #tpu.memory_space<vmem>>
      %dma_start3A_175 = tpu.memref_slice %arg23[%mul3A_44] : memref<8704xi32, #tpu.memory_space<vmem_shared>> -> memref<544xi32, #tpu.memory_space<vmem_shared>>
      %dma_start3A_176 = arith.constant 544 : i32
      %dma_start3A_177 = tpu.memref_slice %arg12[%dma_start3A_176] : memref<1088xi32, #tpu.memory_space<vmem>> -> memref<544xi32, #tpu.memory_space<vmem>>
      %dma_start3A_178 = tpu.memref_slice %arg23[%mul3A_44] : memref<8704xi32, #tpu.memory_space<vmem_shared>> -> memref<544xi32, #tpu.memory_space<vmem_shared>>
      tpu.enqueue_dma source(%dma_start3A_178 : memref<544xi32, #tpu.memory_space<vmem_shared>>) target(%dma_start3A_177 : memref<544xi32, #tpu.memory_space<vmem>>) target_semaphore(%run_scoped3A : memref<!tpu.dma_semaphore, #tpu.memory_space<semaphore_mem>>)
      %dma_wait3A_179 = arith.constant 544 : i32
      %dma_wait3A_180 = tpu.memref_slice %arg12[%dma_wait3A_179] : memref<1088xi32, #tpu.memory_space<vmem>> -> memref<544xi32, #tpu.memory_space<vmem>>
      %dma_wait3A_181 = tpu.memref_slice %arg23[%mul3A_44] : memref<8704xi32, #tpu.memory_space<vmem_shared>> -> memref<544xi32, #tpu.memory_space<vmem_shared>>
      %dma_wait3A_182 = arith.constant 544 : i32
      %dma_wait3A_183 = tpu.memref_slice %arg12[%dma_wait3A_182] : memref<1088xi32, #tpu.memory_space<vmem>> -> memref<544xi32, #tpu.memory_space<vmem>>
      %dma_wait3A_184 = tpu.memref_slice %arg23[%mul3A_44] : memref<8704xi32, #tpu.memory_space<vmem_shared>> -> memref<544xi32, #tpu.memory_space<vmem_shared>>
      tpu.wait_dma2 semaphore(%run_scoped3A : memref<!tpu.dma_semaphore, #tpu.memory_space<semaphore_mem>>) src(%dma_wait3A_184 : memref<544xi32, #tpu.memory_space<vmem_shared>>) dst(%dma_wait3A_183 : memref<544xi32, #tpu.memory_space<vmem>>)
      tpu.yield
    }) : () -> ()
    %add3A_45 = arith.constant 1 : i32
    %add3A_46 = arith.addi %and3A_32, %add3A_45 : i32
    %sub3A = arith.subi %add3A_46, %and3A_2 : i32
    %mul3A_47 = arith.constant 16 : i32
    %mul3A_48 = arith.muli %sub3A, %mul3A_47 : i32
    "tpu.region"() ({
      %run_scoped3A = tpu.sem_alloc : memref<!tpu.dma_semaphore, #tpu.memory_space<semaphore_mem>>
      %dma_start3A_173 = tpu.memref_slice %arg21[%mul3A_48] : memref<256xi32, #tpu.memory_space<vmem_shared>> -> memref<16xi32, #tpu.memory_space<vmem_shared>>
      %dma_start3A_174 = tpu.memref_slice %arg21[%mul3A_48] : memref<256xi32, #tpu.memory_space<vmem_shared>> -> memref<16xi32, #tpu.memory_space<vmem_shared>>
      tpu.enqueue_dma source(%dma_start3A_174 : memref<16xi32, #tpu.memory_space<vmem_shared>>) target(%arg10 : memref<16xi32, #tpu.memory_space<vmem>>) target_semaphore(%run_scoped3A : memref<!tpu.dma_semaphore, #tpu.memory_space<semaphore_mem>>)
      %dma_wait3A_175 = tpu.memref_slice %arg21[%mul3A_48] : memref<256xi32, #tpu.memory_space<vmem_shared>> -> memref<16xi32, #tpu.memory_space<vmem_shared>>
      %dma_wait3A_176 = tpu.memref_slice %arg21[%mul3A_48] : memref<256xi32, #tpu.memory_space<vmem_shared>> -> memref<16xi32, #tpu.memory_space<vmem_shared>>
      tpu.wait_dma2 semaphore(%run_scoped3A : memref<!tpu.dma_semaphore, #tpu.memory_space<semaphore_mem>>) src(%dma_wait3A_176 : memref<16xi32, #tpu.memory_space<vmem_shared>>) dst(%arg10 : memref<16xi32, #tpu.memory_space<vmem>>)
      tpu.yield
    }) : () -> ()
    %get3A_49 = arith.constant 0 : index
    %get3A_50 = tpu.vector_load %arg10[%get3A_49] {strides = array<i32>} : memref<16xi32, #tpu.memory_space<vmem>>, vector<16xi32>,
    %slice3A = vector.extract_strided_slice %get3A_50 {offsets = [0], sizes = [1], strides = [1]} : vector<16xi32> to vector<1xi32>
    %squeeze3A = vector.extract %slice3A[0] : i32 from vector<1xi32>
    %eq3A = arith.constant 0 : i32
    %eq3A_51 = arith.cmpi eq, %and3A_2, %eq3A : i32
    %select_n3A = arith.select %eq3A_51, %min3A_22, %squeeze3A : i32
    %eq3A_52 = arith.constant 0 : i32
    %eq3A_53 = arith.cmpi eq, %and3A_2, %eq3A_52 : i32
    %select_n3A_54 = arith.select %eq3A_53, %squeeze3A, %min3A_22 : i32
    %scan3A_55 = arith.constant 0 : i32
    %scan3A_56 = arith.constant 34 : i32
    %scan3A_57 = arith.addi %scan3A_55, %scan3A_56 : i32
    %scan3A_58 = arith.constant 1 : i32
    scf.for %scan3A_173 = %scan3A_55 to %scan3A_57 step %scan3A_58  : i32 {
      %mul3A_174 = arith.constant 1 : i32
      %mul3A_175 = arith.muli %scan3A_173, %mul3A_174 : i32
      %add3A_176 = arith.constant 0 : i32
      %add3A_177 = arith.addi %add3A_176, %mul3A_175 : i32
      %broadcast_in_dim3A_178 = arith.constant 0 : i32
      %broadcast_in_dim3A_179 = vector.broadcast %broadcast_in_dim3A_178 : i32 to vector<16xi32>
      %mul3A_180 = arith.constant 544 : i32
      %mul3A_181 = arith.muli %and3A_2, %mul3A_180 : i32
      %mul3A_182 = arith.constant 16 : i32
      %mul3A_183 = arith.muli %add3A_177, %mul3A_182 : i32
      %add3A_184 = arith.addi %mul3A_181, %mul3A_183 : i32
      %swap3A_185 = arith.index_cast %add3A_184 : i32 to index
      %swap3A_186 = tpu.vector_load %arg13[%swap3A_185] {strides = array<i32>} : memref<1088xi32, #tpu.memory_space<vmem>>, vector<16xi32>,
      tpu.vector_store %arg13[%swap3A_185], %broadcast_in_dim3A_179 {strides = array<i32>} : memref<1088xi32, #tpu.memory_space<vmem>>, vector<16xi32>,
    }
    %scan3A_59 = arith.constant 34 : i32
    %mul3A_60 = arith.constant 34 : i32
    %mul3A_61 = arith.muli %and3A_2, %mul3A_60 : i32
    %add3A_62 = arith.constant 15 : i32
    %add3A_63 = arith.addi %min3A_22, %add3A_62 : i32
    %shift_right_arithmetic3A = arith.constant 4 : i32
    %shift_right_arithmetic3A_64 = arith.shrsi %add3A_63, %shift_right_arithmetic3A : i32
    %add3A_65 = arith.addi %mul3A_61, %shift_right_arithmetic3A_64 : i32
    %while3A = arith.constant 0 : i32
    %while3A_66 = arith.constant 0 : i32
    %while3A_67 = arith.constant 0 : i32
    %while3A_68 = arith.subi %select_n3A, %while3A_66 : i32
    %while3A_69 = arith.addi %while3A_66, %while3A_68 : i32
    %while3A_70 = arith.constant 1 : i32
    %while3A_71 = arith.divsi %while3A_68, %while3A_70 : i32
    %while3A_72 = arith.muli %while3A_71, %while3A_70 : i32
    %while3A_73 = arith.addi %while3A_66, %while3A_72 : i32
    %while3A_74 = arith.constant 1 : i32
    %while3A_75 = scf.for %while3A_173 = %while3A_66 to %while3A_73 step %while3A_74 iter_args(%while3A_174 = %while3A_67) -> (i32)  : i32 {
      %add3A_175 = arith.addi %while3A, %while3A_173 : i32
      %broadcast_in_dim3A_176 = vector.broadcast %add3A_175 : i32 to vector<16xi32>
      %gather3A = tpu.vector_load_idx %arg11[%broadcast_in_dim3A_176] : memref<1088xf32, #tpu.memory_space<vmem>>[vector<16xi32>], vector<16xf32>,
      %while3A_177 = arith.constant 0 : i32
      %while3A_178 = arith.subi %add3A_65, %mul3A_61 : i32
      %while3A_179 = arith.addi %mul3A_61, %while3A_178 : i32
      %while3A_180 = arith.constant 1 : i32
      %while3A_181 = arith.divsi %while3A_178, %while3A_180 : i32
      %while3A_182 = arith.muli %while3A_181, %while3A_180 : i32
      %while3A_183 = arith.addi %mul3A_61, %while3A_182 : i32
      %while3A_184 = arith.constant 1 : i32
      %while3A_185 = scf.for %while3A_188 = %mul3A_61 to %while3A_183 step %while3A_184 iter_args(%while3A_189 = %while3A_177) -> (i32)  : i32 {
        %mul3A_190 = arith.constant 16 : i32
        %mul3A_191 = arith.muli %while3A_188, %mul3A_190 : i32
        %get3A_192 = arith.index_cast %mul3A_191 : i32 to index
        %get3A_193 = tpu.vector_load %arg11[%get3A_192] {strides = array<i32>} : memref<1088xf32, #tpu.memory_space<vmem>>, vector<16xf32>,
        %mul3A_194 = arith.constant 16 : i32
        %mul3A_195 = arith.muli %while3A_188, %mul3A_194 : i32
        %add3A_196 = vector.broadcast %mul3A_195 : i32 to vector<16xi32>
        %add3A_197 = arith.addi %add3A_196, %iota3A : vector<16xi32>
        %gt3A = arith.cmpf ogt, %gather3A, %get3A_193 : vector<16xf32>
        %eq3A_198 = arith.cmpf oeq, %gather3A, %get3A_193 : vector<16xf32>
        %lt3A = vector.broadcast %add3A_175 : i32 to vector<16xi32>
        %lt3A_199 = arith.cmpi slt, %lt3A, %add3A_197 : vector<16xi32>
        %and3A_200 = arith.andi %eq3A_198, %lt3A_199 : vector<16xi1>
        %or3A = arith.ori %gt3A, %and3A_200 : vector<16xi1>
        %mul3A_201 = arith.constant 16 : i32
        %mul3A_202 = arith.muli %while3A_188, %mul3A_201 : i32
        %get3A_203 = arith.index_cast %mul3A_202 : i32 to index
        %get3A_204 = tpu.vector_load %arg13[%get3A_203] {strides = array<i32>} : memref<1088xi32, #tpu.memory_space<vmem>>, vector<16xi32>,
        %convert_element_type3A_205 = arith.extui %or3A : vector<16xi1> to vector<16xi32>
        %add3A_206 = arith.addi %get3A_204, %convert_element_type3A_205 : vector<16xi32>
        %swap3A_207 = arith.index_cast %mul3A_202 : i32 to index
        %swap3A_208 = tpu.vector_load %arg13[%swap3A_207] {strides = array<i32>} : memref<1088xi32, #tpu.memory_space<vmem>>, vector<16xi32>,
        tpu.vector_store %arg13[%swap3A_207], %add3A_206 {strides = array<i32>} : memref<1088xi32, #tpu.memory_space<vmem>>, vector<16xi32>,
        %while3A_209 = arith.constant 0 : i32
        scf.yield %while3A_209 : i32
      }
      %while3A_186 = arith.constant 1 : i32
      %while3A_187 = scf.for %while3A_188 = %while3A_183 to %while3A_179 step %while3A_186 iter_args(%while3A_189 = %while3A_185) -> (i32)  : i32 {
        %mul3A_190 = arith.constant 16 : i32
        %mul3A_191 = arith.muli %while3A_188, %mul3A_190 : i32
        %get3A_192 = arith.index_cast %mul3A_191 : i32 to index
        %get3A_193 = tpu.vector_load %arg11[%get3A_192] {strides = array<i32>} : memref<1088xf32, #tpu.memory_space<vmem>>, vector<16xf32>,
        %mul3A_194 = arith.constant 16 : i32
        %mul3A_195 = arith.muli %while3A_188, %mul3A_194 : i32
        %add3A_196 = vector.broadcast %mul3A_195 : i32 to vector<16xi32>
        %add3A_197 = arith.addi %add3A_196, %iota3A : vector<16xi32>
        %gt3A = arith.cmpf ogt, %gather3A, %get3A_193 : vector<16xf32>
        %eq3A_198 = arith.cmpf oeq, %gather3A, %get3A_193 : vector<16xf32>
        %lt3A = vector.broadcast %add3A_175 : i32 to vector<16xi32>
        %lt3A_199 = arith.cmpi slt, %lt3A, %add3A_197 : vector<16xi32>
        %and3A_200 = arith.andi %eq3A_198, %lt3A_199 : vector<16xi1>
        %or3A = arith.ori %gt3A, %and3A_200 : vector<16xi1>
        %mul3A_201 = arith.constant 16 : i32
        %mul3A_202 = arith.muli %while3A_188, %mul3A_201 : i32
        %get3A_203 = arith.index_cast %mul3A_202 : i32 to index
        %get3A_204 = tpu.vector_load %arg13[%get3A_203] {strides = array<i32>} : memref<1088xi32, #tpu.memory_space<vmem>>, vector<16xi32>,
        %convert_element_type3A_205 = arith.extui %or3A : vector<16xi1> to vector<16xi32>
        %add3A_206 = arith.addi %get3A_204, %convert_element_type3A_205 : vector<16xi32>
        %swap3A_207 = arith.index_cast %mul3A_202 : i32 to index
        %swap3A_208 = tpu.vector_load %arg13[%swap3A_207] {strides = array<i32>} : memref<1088xi32, #tpu.memory_space<vmem>>, vector<16xi32>,
        tpu.vector_store %arg13[%swap3A_207], %add3A_206 {strides = array<i32>} : memref<1088xi32, #tpu.memory_space<vmem>>, vector<16xi32>,
        %while3A_209 = arith.constant 0 : i32
        scf.yield %while3A_209 : i32
      }
      scf.yield %while3A_187 : i32
    }
    %while3A_76 = arith.constant 1 : i32
    %while3A_77 = scf.for %while3A_173 = %while3A_73 to %while3A_69 step %while3A_76 iter_args(%while3A_174 = %while3A_75) -> (i32)  : i32 {
      %add3A_175 = arith.addi %while3A, %while3A_173 : i32
      %broadcast_in_dim3A_176 = vector.broadcast %add3A_175 : i32 to vector<16xi32>
      %gather3A = tpu.vector_load_idx %arg11[%broadcast_in_dim3A_176] : memref<1088xf32, #tpu.memory_space<vmem>>[vector<16xi32>], vector<16xf32>,
      %while3A_177 = arith.constant 0 : i32
      %while3A_178 = arith.subi %add3A_65, %mul3A_61 : i32
      %while3A_179 = arith.addi %mul3A_61, %while3A_178 : i32
      %while3A_180 = arith.constant 1 : i32
      %while3A_181 = arith.divsi %while3A_178, %while3A_180 : i32
      %while3A_182 = arith.muli %while3A_181, %while3A_180 : i32
      %while3A_183 = arith.addi %mul3A_61, %while3A_182 : i32
      %while3A_184 = arith.constant 1 : i32
      %while3A_185 = scf.for %while3A_188 = %mul3A_61 to %while3A_183 step %while3A_184 iter_args(%while3A_189 = %while3A_177) -> (i32)  : i32 {
        %mul3A_190 = arith.constant 16 : i32
        %mul3A_191 = arith.muli %while3A_188, %mul3A_190 : i32
        %get3A_192 = arith.index_cast %mul3A_191 : i32 to index
        %get3A_193 = tpu.vector_load %arg11[%get3A_192] {strides = array<i32>} : memref<1088xf32, #tpu.memory_space<vmem>>, vector<16xf32>,
        %mul3A_194 = arith.constant 16 : i32
        %mul3A_195 = arith.muli %while3A_188, %mul3A_194 : i32
        %add3A_196 = vector.broadcast %mul3A_195 : i32 to vector<16xi32>
        %add3A_197 = arith.addi %add3A_196, %iota3A : vector<16xi32>
        %gt3A = arith.cmpf ogt, %gather3A, %get3A_193 : vector<16xf32>
        %eq3A_198 = arith.cmpf oeq, %gather3A, %get3A_193 : vector<16xf32>
        %lt3A = vector.broadcast %add3A_175 : i32 to vector<16xi32>
        %lt3A_199 = arith.cmpi slt, %lt3A, %add3A_197 : vector<16xi32>
        %and3A_200 = arith.andi %eq3A_198, %lt3A_199 : vector<16xi1>
        %or3A = arith.ori %gt3A, %and3A_200 : vector<16xi1>
        %mul3A_201 = arith.constant 16 : i32
        %mul3A_202 = arith.muli %while3A_188, %mul3A_201 : i32
        %get3A_203 = arith.index_cast %mul3A_202 : i32 to index
        %get3A_204 = tpu.vector_load %arg13[%get3A_203] {strides = array<i32>} : memref<1088xi32, #tpu.memory_space<vmem>>, vector<16xi32>,
        %convert_element_type3A_205 = arith.extui %or3A : vector<16xi1> to vector<16xi32>
        %add3A_206 = arith.addi %get3A_204, %convert_element_type3A_205 : vector<16xi32>
        %swap3A_207 = arith.index_cast %mul3A_202 : i32 to index
        %swap3A_208 = tpu.vector_load %arg13[%swap3A_207] {strides = array<i32>} : memref<1088xi32, #tpu.memory_space<vmem>>, vector<16xi32>,
        tpu.vector_store %arg13[%swap3A_207], %add3A_206 {strides = array<i32>} : memref<1088xi32, #tpu.memory_space<vmem>>, vector<16xi32>,
        %while3A_209 = arith.constant 0 : i32
        scf.yield %while3A_209 : i32
      }
      %while3A_186 = arith.constant 1 : i32
      %while3A_187 = scf.for %while3A_188 = %while3A_183 to %while3A_179 step %while3A_186 iter_args(%while3A_189 = %while3A_185) -> (i32)  : i32 {
        %mul3A_190 = arith.constant 16 : i32
        %mul3A_191 = arith.muli %while3A_188, %mul3A_190 : i32
        %get3A_192 = arith.index_cast %mul3A_191 : i32 to index
        %get3A_193 = tpu.vector_load %arg11[%get3A_192] {strides = array<i32>} : memref<1088xf32, #tpu.memory_space<vmem>>, vector<16xf32>,
        %mul3A_194 = arith.constant 16 : i32
        %mul3A_195 = arith.muli %while3A_188, %mul3A_194 : i32
        %add3A_196 = vector.broadcast %mul3A_195 : i32 to vector<16xi32>
        %add3A_197 = arith.addi %add3A_196, %iota3A : vector<16xi32>
        %gt3A = arith.cmpf ogt, %gather3A, %get3A_193 : vector<16xf32>
        %eq3A_198 = arith.cmpf oeq, %gather3A, %get3A_193 : vector<16xf32>
        %lt3A = vector.broadcast %add3A_175 : i32 to vector<16xi32>
        %lt3A_199 = arith.cmpi slt, %lt3A, %add3A_197 : vector<16xi32>
        %and3A_200 = arith.andi %eq3A_198, %lt3A_199 : vector<16xi1>
        %or3A = arith.ori %gt3A, %and3A_200 : vector<16xi1>
        %mul3A_201 = arith.constant 16 : i32
        %mul3A_202 = arith.muli %while3A_188, %mul3A_201 : i32
        %get3A_203 = arith.index_cast %mul3A_202 : i32 to index
        %get3A_204 = tpu.vector_load %arg13[%get3A_203] {strides = array<i32>} : memref<1088xi32, #tpu.memory_space<vmem>>, vector<16xi32>,
        %convert_element_type3A_205 = arith.extui %or3A : vector<16xi1> to vector<16xi32>
        %add3A_206 = arith.addi %get3A_204, %convert_element_type3A_205 : vector<16xi32>
        %swap3A_207 = arith.index_cast %mul3A_202 : i32 to index
        %swap3A_208 = tpu.vector_load %arg13[%swap3A_207] {strides = array<i32>} : memref<1088xi32, #tpu.memory_space<vmem>>, vector<16xi32>,
        tpu.vector_store %arg13[%swap3A_207], %add3A_206 {strides = array<i32>} : memref<1088xi32, #tpu.memory_space<vmem>>, vector<16xi32>,
        %while3A_209 = arith.constant 0 : i32
        scf.yield %while3A_209 : i32
      }
      scf.yield %while3A_187 : i32
    }
    %while3A_78 = arith.constant 544 : i32
    %while3A_79 = arith.constant 0 : i32
    %while3A_80 = arith.constant 0 : i32
    %while3A_81 = arith.subi %select_n3A_54, %while3A_79 : i32
    %while3A_82 = arith.addi %while3A_79, %while3A_81 : i32
    %while3A_83 = arith.constant 1 : i32
    %while3A_84 = arith.divsi %while3A_81, %while3A_83 : i32
    %while3A_85 = arith.muli %while3A_84, %while3A_83 : i32
    %while3A_86 = arith.addi %while3A_79, %while3A_85 : i32
    %while3A_87 = arith.constant 1 : i32
    %while3A_88 = scf.for %while3A_173 = %while3A_79 to %while3A_86 step %while3A_87 iter_args(%while3A_174 = %while3A_80) -> (i32)  : i32 {
      %add3A_175 = arith.addi %while3A_78, %while3A_173 : i32
      %broadcast_in_dim3A_176 = vector.broadcast %add3A_175 : i32 to vector<16xi32>
      %gather3A = tpu.vector_load_idx %arg11[%broadcast_in_dim3A_176] : memref<1088xf32, #tpu.memory_space<vmem>>[vector<16xi32>], vector<16xf32>,
      %while3A_177 = arith.constant 0 : i32
      %while3A_178 = arith.subi %add3A_65, %mul3A_61 : i32
      %while3A_179 = arith.addi %mul3A_61, %while3A_178 : i32
      %while3A_180 = arith.constant 1 : i32
      %while3A_181 = arith.divsi %while3A_178, %while3A_180 : i32
      %while3A_182 = arith.muli %while3A_181, %while3A_180 : i32
      %while3A_183 = arith.addi %mul3A_61, %while3A_182 : i32
      %while3A_184 = arith.constant 1 : i32
      %while3A_185 = scf.for %while3A_188 = %mul3A_61 to %while3A_183 step %while3A_184 iter_args(%while3A_189 = %while3A_177) -> (i32)  : i32 {
        %mul3A_190 = arith.constant 16 : i32
        %mul3A_191 = arith.muli %while3A_188, %mul3A_190 : i32
        %get3A_192 = arith.index_cast %mul3A_191 : i32 to index
        %get3A_193 = tpu.vector_load %arg11[%get3A_192] {strides = array<i32>} : memref<1088xf32, #tpu.memory_space<vmem>>, vector<16xf32>,
        %mul3A_194 = arith.constant 16 : i32
        %mul3A_195 = arith.muli %while3A_188, %mul3A_194 : i32
        %add3A_196 = vector.broadcast %mul3A_195 : i32 to vector<16xi32>
        %add3A_197 = arith.addi %add3A_196, %iota3A : vector<16xi32>
        %gt3A = arith.cmpf ogt, %gather3A, %get3A_193 : vector<16xf32>
        %eq3A_198 = arith.cmpf oeq, %gather3A, %get3A_193 : vector<16xf32>
        %lt3A = vector.broadcast %add3A_175 : i32 to vector<16xi32>
        %lt3A_199 = arith.cmpi slt, %lt3A, %add3A_197 : vector<16xi32>
        %and3A_200 = arith.andi %eq3A_198, %lt3A_199 : vector<16xi1>
        %or3A = arith.ori %gt3A, %and3A_200 : vector<16xi1>
        %mul3A_201 = arith.constant 16 : i32
        %mul3A_202 = arith.muli %while3A_188, %mul3A_201 : i32
        %get3A_203 = arith.index_cast %mul3A_202 : i32 to index
        %get3A_204 = tpu.vector_load %arg13[%get3A_203] {strides = array<i32>} : memref<1088xi32, #tpu.memory_space<vmem>>, vector<16xi32>,
        %convert_element_type3A_205 = arith.extui %or3A : vector<16xi1> to vector<16xi32>
        %add3A_206 = arith.addi %get3A_204, %convert_element_type3A_205 : vector<16xi32>
        %swap3A_207 = arith.index_cast %mul3A_202 : i32 to index
        %swap3A_208 = tpu.vector_load %arg13[%swap3A_207] {strides = array<i32>} : memref<1088xi32, #tpu.memory_space<vmem>>, vector<16xi32>,
        tpu.vector_store %arg13[%swap3A_207], %add3A_206 {strides = array<i32>} : memref<1088xi32, #tpu.memory_space<vmem>>, vector<16xi32>,
        %while3A_209 = arith.constant 0 : i32
        scf.yield %while3A_209 : i32
      }
      %while3A_186 = arith.constant 1 : i32
      %while3A_187 = scf.for %while3A_188 = %while3A_183 to %while3A_179 step %while3A_186 iter_args(%while3A_189 = %while3A_185) -> (i32)  : i32 {
        %mul3A_190 = arith.constant 16 : i32
        %mul3A_191 = arith.muli %while3A_188, %mul3A_190 : i32
        %get3A_192 = arith.index_cast %mul3A_191 : i32 to index
        %get3A_193 = tpu.vector_load %arg11[%get3A_192] {strides = array<i32>} : memref<1088xf32, #tpu.memory_space<vmem>>, vector<16xf32>,
        %mul3A_194 = arith.constant 16 : i32
        %mul3A_195 = arith.muli %while3A_188, %mul3A_194 : i32
        %add3A_196 = vector.broadcast %mul3A_195 : i32 to vector<16xi32>
        %add3A_197 = arith.addi %add3A_196, %iota3A : vector<16xi32>
        %gt3A = arith.cmpf ogt, %gather3A, %get3A_193 : vector<16xf32>
        %eq3A_198 = arith.cmpf oeq, %gather3A, %get3A_193 : vector<16xf32>
        %lt3A = vector.broadcast %add3A_175 : i32 to vector<16xi32>
        %lt3A_199 = arith.cmpi slt, %lt3A, %add3A_197 : vector<16xi32>
        %and3A_200 = arith.andi %eq3A_198, %lt3A_199 : vector<16xi1>
        %or3A = arith.ori %gt3A, %and3A_200 : vector<16xi1>
        %mul3A_201 = arith.constant 16 : i32
        %mul3A_202 = arith.muli %while3A_188, %mul3A_201 : i32
        %get3A_203 = arith.index_cast %mul3A_202 : i32 to index
        %get3A_204 = tpu.vector_load %arg13[%get3A_203] {strides = array<i32>} : memref<1088xi32, #tpu.memory_space<vmem>>, vector<16xi32>,
        %convert_element_type3A_205 = arith.extui %or3A : vector<16xi1> to vector<16xi32>
        %add3A_206 = arith.addi %get3A_204, %convert_element_type3A_205 : vector<16xi32>
        %swap3A_207 = arith.index_cast %mul3A_202 : i32 to index
        %swap3A_208 = tpu.vector_load %arg13[%swap3A_207] {strides = array<i32>} : memref<1088xi32, #tpu.memory_space<vmem>>, vector<16xi32>,
        tpu.vector_store %arg13[%swap3A_207], %add3A_206 {strides = array<i32>} : memref<1088xi32, #tpu.memory_space<vmem>>, vector<16xi32>,
        %while3A_209 = arith.constant 0 : i32
        scf.yield %while3A_209 : i32
      }
      scf.yield %while3A_187 : i32
    }
    %while3A_89 = arith.constant 1 : i32
    %while3A_90 = scf.for %while3A_173 = %while3A_86 to %while3A_82 step %while3A_89 iter_args(%while3A_174 = %while3A_88) -> (i32)  : i32 {
      %add3A_175 = arith.addi %while3A_78, %while3A_173 : i32
      %broadcast_in_dim3A_176 = vector.broadcast %add3A_175 : i32 to vector<16xi32>
      %gather3A = tpu.vector_load_idx %arg11[%broadcast_in_dim3A_176] : memref<1088xf32, #tpu.memory_space<vmem>>[vector<16xi32>], vector<16xf32>,
      %while3A_177 = arith.constant 0 : i32
      %while3A_178 = arith.subi %add3A_65, %mul3A_61 : i32
      %while3A_179 = arith.addi %mul3A_61, %while3A_178 : i32
      %while3A_180 = arith.constant 1 : i32
      %while3A_181 = arith.divsi %while3A_178, %while3A_180 : i32
      %while3A_182 = arith.muli %while3A_181, %while3A_180 : i32
      %while3A_183 = arith.addi %mul3A_61, %while3A_182 : i32
      %while3A_184 = arith.constant 1 : i32
      %while3A_185 = scf.for %while3A_188 = %mul3A_61 to %while3A_183 step %while3A_184 iter_args(%while3A_189 = %while3A_177) -> (i32)  : i32 {
        %mul3A_190 = arith.constant 16 : i32
        %mul3A_191 = arith.muli %while3A_188, %mul3A_190 : i32
        %get3A_192 = arith.index_cast %mul3A_191 : i32 to index
        %get3A_193 = tpu.vector_load %arg11[%get3A_192] {strides = array<i32>} : memref<1088xf32, #tpu.memory_space<vmem>>, vector<16xf32>,
        %mul3A_194 = arith.constant 16 : i32
        %mul3A_195 = arith.muli %while3A_188, %mul3A_194 : i32
        %add3A_196 = vector.broadcast %mul3A_195 : i32 to vector<16xi32>
        %add3A_197 = arith.addi %add3A_196, %iota3A : vector<16xi32>
        %gt3A = arith.cmpf ogt, %gather3A, %get3A_193 : vector<16xf32>
        %eq3A_198 = arith.cmpf oeq, %gather3A, %get3A_193 : vector<16xf32>
        %lt3A = vector.broadcast %add3A_175 : i32 to vector<16xi32>
        %lt3A_199 = arith.cmpi slt, %lt3A, %add3A_197 : vector<16xi32>
        %and3A_200 = arith.andi %eq3A_198, %lt3A_199 : vector<16xi1>
        %or3A = arith.ori %gt3A, %and3A_200 : vector<16xi1>
        %mul3A_201 = arith.constant 16 : i32
        %mul3A_202 = arith.muli %while3A_188, %mul3A_201 : i32
        %get3A_203 = arith.index_cast %mul3A_202 : i32 to index
        %get3A_204 = tpu.vector_load %arg13[%get3A_203] {strides = array<i32>} : memref<1088xi32, #tpu.memory_space<vmem>>, vector<16xi32>,
        %convert_element_type3A_205 = arith.extui %or3A : vector<16xi1> to vector<16xi32>
        %add3A_206 = arith.addi %get3A_204, %convert_element_type3A_205 : vector<16xi32>
        %swap3A_207 = arith.index_cast %mul3A_202 : i32 to index
        %swap3A_208 = tpu.vector_load %arg13[%swap3A_207] {strides = array<i32>} : memref<1088xi32, #tpu.memory_space<vmem>>, vector<16xi32>,
        tpu.vector_store %arg13[%swap3A_207], %add3A_206 {strides = array<i32>} : memref<1088xi32, #tpu.memory_space<vmem>>, vector<16xi32>,
        %while3A_209 = arith.constant 0 : i32
        scf.yield %while3A_209 : i32
      }
      %while3A_186 = arith.constant 1 : i32
      %while3A_187 = scf.for %while3A_188 = %while3A_183 to %while3A_179 step %while3A_186 iter_args(%while3A_189 = %while3A_185) -> (i32)  : i32 {
        %mul3A_190 = arith.constant 16 : i32
        %mul3A_191 = arith.muli %while3A_188, %mul3A_190 : i32
        %get3A_192 = arith.index_cast %mul3A_191 : i32 to index
        %get3A_193 = tpu.vector_load %arg11[%get3A_192] {strides = array<i32>} : memref<1088xf32, #tpu.memory_space<vmem>>, vector<16xf32>,
        %mul3A_194 = arith.constant 16 : i32
        %mul3A_195 = arith.muli %while3A_188, %mul3A_194 : i32
        %add3A_196 = vector.broadcast %mul3A_195 : i32 to vector<16xi32>
        %add3A_197 = arith.addi %add3A_196, %iota3A : vector<16xi32>
        %gt3A = arith.cmpf ogt, %gather3A, %get3A_193 : vector<16xf32>
        %eq3A_198 = arith.cmpf oeq, %gather3A, %get3A_193 : vector<16xf32>
        %lt3A = vector.broadcast %add3A_175 : i32 to vector<16xi32>
        %lt3A_199 = arith.cmpi slt, %lt3A, %add3A_197 : vector<16xi32>
        %and3A_200 = arith.andi %eq3A_198, %lt3A_199 : vector<16xi1>
        %or3A = arith.ori %gt3A, %and3A_200 : vector<16xi1>
        %mul3A_201 = arith.constant 16 : i32
        %mul3A_202 = arith.muli %while3A_188, %mul3A_201 : i32
        %get3A_203 = arith.index_cast %mul3A_202 : i32 to index
        %get3A_204 = tpu.vector_load %arg13[%get3A_203] {strides = array<i32>} : memref<1088xi32, #tpu.memory_space<vmem>>, vector<16xi32>,
        %convert_element_type3A_205 = arith.extui %or3A : vector<16xi1> to vector<16xi32>
        %add3A_206 = arith.addi %get3A_204, %convert_element_type3A_205 : vector<16xi32>
        %swap3A_207 = arith.index_cast %mul3A_202 : i32 to index
        %swap3A_208 = tpu.vector_load %arg13[%swap3A_207] {strides = array<i32>} : memref<1088xi32, #tpu.memory_space<vmem>>, vector<16xi32>,
        tpu.vector_store %arg13[%swap3A_207], %add3A_206 {strides = array<i32>} : memref<1088xi32, #tpu.memory_space<vmem>>, vector<16xi32>,
        %while3A_209 = arith.constant 0 : i32
        scf.yield %while3A_209 : i32
      }
      scf.yield %while3A_187 : i32
    }
    %mul3A_91 = arith.constant 544 : i32
    %mul3A_92 = arith.muli %and3A_2, %mul3A_91 : i32
    %mul3A_93 = arith.constant 544 : i32
    %mul3A_94 = arith.muli %arg1, %mul3A_93 : i32
    "tpu.region"() ({
      %run_scoped3A = tpu.sem_alloc : memref<!tpu.dma_semaphore, #tpu.memory_space<semaphore_mem>>
      %dma_start3A_173 = tpu.memref_slice %arg13[%mul3A_92] : memref<1088xi32, #tpu.memory_space<vmem>> -> memref<544xi32, #tpu.memory_space<vmem>>
      %dma_start3A_174 = tpu.memref_slice %arg24[%mul3A_94] : memref<8704xi32, #tpu.memory_space<vmem_shared>> -> memref<544xi32, #tpu.memory_space<vmem_shared>>
      %dma_start3A_175 = tpu.memref_slice %arg24[%mul3A_94] : memref<8704xi32, #tpu.memory_space<vmem_shared>> -> memref<544xi32, #tpu.memory_space<vmem_shared>>
      %dma_start3A_176 = tpu.memref_slice %arg13[%mul3A_92] : memref<1088xi32, #tpu.memory_space<vmem>> -> memref<544xi32, #tpu.memory_space<vmem>>
      tpu.enqueue_dma source(%dma_start3A_176 : memref<544xi32, #tpu.memory_space<vmem>>) target(%dma_start3A_175 : memref<544xi32, #tpu.memory_space<vmem_shared>>) target_semaphore(%run_scoped3A : memref<!tpu.dma_semaphore, #tpu.memory_space<semaphore_mem>>)
      %dma_wait3A_177 = tpu.memref_slice %arg13[%mul3A_92] : memref<1088xi32, #tpu.memory_space<vmem>> -> memref<544xi32, #tpu.memory_space<vmem>>
      %dma_wait3A_178 = tpu.memref_slice %arg24[%mul3A_94] : memref<8704xi32, #tpu.memory_space<vmem_shared>> -> memref<544xi32, #tpu.memory_space<vmem_shared>>
      %dma_wait3A_179 = tpu.memref_slice %arg24[%mul3A_94] : memref<8704xi32, #tpu.memory_space<vmem_shared>> -> memref<544xi32, #tpu.memory_space<vmem_shared>>
      %dma_wait3A_180 = tpu.memref_slice %arg13[%mul3A_92] : memref<1088xi32, #tpu.memory_space<vmem>> -> memref<544xi32, #tpu.memory_space<vmem>>
      tpu.wait_dma2 semaphore(%run_scoped3A : memref<!tpu.dma_semaphore, #tpu.memory_space<semaphore_mem>>) src(%dma_wait3A_180 : memref<544xi32, #tpu.memory_space<vmem>>) dst(%dma_wait3A_179 : memref<544xi32, #tpu.memory_space<vmem_shared>>)
      tpu.yield
    }) : () -> ()
    %barrier3A_95 = arith.constant 0 : index
    tpu.barrier barrier_id(%barrier3A_95)
    %add3A_96 = arith.constant 1 : i32
    %add3A_97 = arith.addi %and3A_32, %add3A_96 : i32
    %sub3A_98 = arith.subi %add3A_97, %and3A_2 : i32
    %mul3A_99 = arith.constant 544 : i32
    %mul3A_100 = arith.muli %sub3A_98, %mul3A_99 : i32
    %sub3A_101 = arith.constant 1 : i32
    %sub3A_102 = arith.subi %sub3A_101, %and3A_2 : i32
    %mul3A_103 = arith.constant 544 : i32
    %mul3A_104 = arith.muli %sub3A_102, %mul3A_103 : i32
    "tpu.region"() ({
      %run_scoped3A = tpu.sem_alloc : memref<!tpu.dma_semaphore, #tpu.memory_space<semaphore_mem>>
      %dma_start3A_173 = tpu.memref_slice %arg13[%mul3A_104] : memref<1088xi32, #tpu.memory_space<vmem>> -> memref<544xi32, #tpu.memory_space<vmem>>
      %dma_start3A_174 = tpu.memref_slice %arg24[%mul3A_100] : memref<8704xi32, #tpu.memory_space<vmem_shared>> -> memref<544xi32, #tpu.memory_space<vmem_shared>>
      %dma_start3A_175 = tpu.memref_slice %arg13[%mul3A_104] : memref<1088xi32, #tpu.memory_space<vmem>> -> memref<544xi32, #tpu.memory_space<vmem>>
      %dma_start3A_176 = tpu.memref_slice %arg24[%mul3A_100] : memref<8704xi32, #tpu.memory_space<vmem_shared>> -> memref<544xi32, #tpu.memory_space<vmem_shared>>
      tpu.enqueue_dma source(%dma_start3A_176 : memref<544xi32, #tpu.memory_space<vmem_shared>>) target(%dma_start3A_175 : memref<544xi32, #tpu.memory_space<vmem>>) target_semaphore(%run_scoped3A : memref<!tpu.dma_semaphore, #tpu.memory_space<semaphore_mem>>)
      %dma_wait3A_177 = tpu.memref_slice %arg13[%mul3A_104] : memref<1088xi32, #tpu.memory_space<vmem>> -> memref<544xi32, #tpu.memory_space<vmem>>
      %dma_wait3A_178 = tpu.memref_slice %arg24[%mul3A_100] : memref<8704xi32, #tpu.memory_space<vmem_shared>> -> memref<544xi32, #tpu.memory_space<vmem_shared>>
      %dma_wait3A_179 = tpu.memref_slice %arg13[%mul3A_104] : memref<1088xi32, #tpu.memory_space<vmem>> -> memref<544xi32, #tpu.memory_space<vmem>>
      %dma_wait3A_180 = tpu.memref_slice %arg24[%mul3A_100] : memref<8704xi32, #tpu.memory_space<vmem_shared>> -> memref<544xi32, #tpu.memory_space<vmem_shared>>
      tpu.wait_dma2 semaphore(%run_scoped3A : memref<!tpu.dma_semaphore, #tpu.memory_space<semaphore_mem>>) src(%dma_wait3A_180 : memref<544xi32, #tpu.memory_space<vmem_shared>>) dst(%dma_wait3A_179 : memref<544xi32, #tpu.memory_space<vmem>>)
      tpu.yield
    }) : () -> ()
    %mul3A_105 = arith.constant 96 : i32
    %mul3A_106 = arith.muli %and3A_2, %mul3A_105 : i32
    %mul3A_107 = arith.constant 8 : i32
    %mul3A_108 = arith.muli %and3A_2, %mul3A_107 : i32
    %add3A_109 = arith.constant 96 : i32
    %add3A_110 = arith.addi %add3A_109, %mul3A_108 : i32
    %add3A_111 = arith.constant 15 : i32
    %add3A_112 = arith.addi %select_n3A, %add3A_111 : i32
    %shift_right_arithmetic3A_113 = arith.constant 4 : i32
    %shift_right_arithmetic3A_114 = arith.shrsi %add3A_112, %shift_right_arithmetic3A_113 : i32
    %while3A_115 = arith.constant 0 : i32
    %while3A_116 = arith.constant 0 : i32
    %while3A_117 = arith.constant 0 : i32
    %while3A_118 = arith.subi %shift_right_arithmetic3A_114, %while3A_116 : i32
    %while3A_119 = arith.addi %while3A_116, %while3A_118 : i32
    %while3A_120 = arith.constant 1 : i32
    %while3A_121 = arith.divsi %while3A_118, %while3A_120 : i32
    %while3A_122 = arith.muli %while3A_121, %while3A_120 : i32
    %while3A_123 = arith.addi %while3A_116, %while3A_122 : i32
    %while3A_124 = arith.constant 1 : i32
    %while3A_125 = scf.for %while3A_173 = %while3A_116 to %while3A_123 step %while3A_124 iter_args(%while3A_174 = %while3A_117) -> (i32)  : i32 {
      %add3A_175 = arith.addi %while3A_115, %while3A_173 : i32
      %mul3A_176 = arith.constant 16 : i32
      %mul3A_177 = arith.muli %add3A_175, %mul3A_176 : i32
      %get3A_178 = arith.index_cast %mul3A_177 : i32 to index
      %get3A_179 = tpu.vector_load %arg11[%get3A_178] {strides = array<i32>} : memref<1088xf32, #tpu.memory_space<vmem>>, vector<16xf32>,
      %mul3A_180 = arith.constant 16 : i32
      %mul3A_181 = arith.muli %add3A_175, %mul3A_180 : i32
      %get3A_182 = arith.index_cast %mul3A_181 : i32 to index
      %get3A_183 = tpu.vector_load %arg13[%get3A_182] {strides = array<i32>} : memref<1088xi32, #tpu.memory_space<vmem>>, vector<16xi32>,
      %ge3A = arith.constant 0.000000e+00 : f32
      %ge3A_184 = vector.broadcast %ge3A : f32 to vector<16xf32>
      %ge3A_185 = arith.cmpf oge, %get3A_179, %ge3A_184 : vector<16xf32>
      %ge3A_186 = vector.broadcast %mul3A_106 : i32 to vector<16xi32>
      %ge3A_187 = arith.cmpi sge, %get3A_183, %ge3A_186 : vector<16xi32>
      %and3A_188 = arith.andi %ge3A_185, %ge3A_187 : vector<16xi1>
      %add3A_189 = arith.addi %mul3A_106, %add3A_110 : i32
      %lt3A = vector.broadcast %add3A_189 : i32 to vector<16xi32>
      %lt3A_190 = arith.cmpi slt, %get3A_183, %lt3A : vector<16xi32>
      %and3A_191 = arith.andi %and3A_188, %lt3A_190 : vector<16xi1>
      %sub3A_192 = vector.broadcast %mul3A_106 : i32 to vector<16xi32>
      %sub3A_193 = arith.subi %get3A_183, %sub3A_192 : vector<16xi32>
      tpu.vector_store_idx %arg14[%sub3A_193], %get3A_179 masked %and3A_191 : memref<112xf32, #tpu.memory_space<vmem>>[vector<16xi32>], vector<16xf32>, vector<16xi1>
      %sub3A_194 = vector.broadcast %mul3A_106 : i32 to vector<16xi32>
      %sub3A_195 = arith.subi %get3A_183, %sub3A_194 : vector<16xi32>
      %mul3A_196 = arith.constant 16 : i32
      %mul3A_197 = arith.muli %add3A_175, %mul3A_196 : i32
      %get3A_198 = arith.index_cast %mul3A_197 : i32 to index
      %get3A_199 = tpu.vector_load %arg12[%get3A_198] {strides = array<i32>} : memref<1088xi32, #tpu.memory_space<vmem>>, vector<16xi32>,
      tpu.vector_store_idx %arg15[%sub3A_195], %get3A_199 masked %and3A_191 : memref<112xi32, #tpu.memory_space<vmem>>[vector<16xi32>], vector<16xi32>, vector<16xi1>
      %while3A_200 = arith.constant 0 : i32
      scf.yield %while3A_200 : i32
    }
    %while3A_126 = arith.constant 1 : i32
    %while3A_127 = scf.for %while3A_173 = %while3A_123 to %while3A_119 step %while3A_126 iter_args(%while3A_174 = %while3A_125) -> (i32)  : i32 {
      %add3A_175 = arith.addi %while3A_115, %while3A_173 : i32
      %mul3A_176 = arith.constant 16 : i32
      %mul3A_177 = arith.muli %add3A_175, %mul3A_176 : i32
      %get3A_178 = arith.index_cast %mul3A_177 : i32 to index
      %get3A_179 = tpu.vector_load %arg11[%get3A_178] {strides = array<i32>} : memref<1088xf32, #tpu.memory_space<vmem>>, vector<16xf32>,
      %mul3A_180 = arith.constant 16 : i32
      %mul3A_181 = arith.muli %add3A_175, %mul3A_180 : i32
      %get3A_182 = arith.index_cast %mul3A_181 : i32 to index
      %get3A_183 = tpu.vector_load %arg13[%get3A_182] {strides = array<i32>} : memref<1088xi32, #tpu.memory_space<vmem>>, vector<16xi32>,
      %ge3A = arith.constant 0.000000e+00 : f32
      %ge3A_184 = vector.broadcast %ge3A : f32 to vector<16xf32>
      %ge3A_185 = arith.cmpf oge, %get3A_179, %ge3A_184 : vector<16xf32>
      %ge3A_186 = vector.broadcast %mul3A_106 : i32 to vector<16xi32>
      %ge3A_187 = arith.cmpi sge, %get3A_183, %ge3A_186 : vector<16xi32>
      %and3A_188 = arith.andi %ge3A_185, %ge3A_187 : vector<16xi1>
      %add3A_189 = arith.addi %mul3A_106, %add3A_110 : i32
      %lt3A = vector.broadcast %add3A_189 : i32 to vector<16xi32>
      %lt3A_190 = arith.cmpi slt, %get3A_183, %lt3A : vector<16xi32>
      %and3A_191 = arith.andi %and3A_188, %lt3A_190 : vector<16xi1>
      %sub3A_192 = vector.broadcast %mul3A_106 : i32 to vector<16xi32>
      %sub3A_193 = arith.subi %get3A_183, %sub3A_192 : vector<16xi32>
      tpu.vector_store_idx %arg14[%sub3A_193], %get3A_179 masked %and3A_191 : memref<112xf32, #tpu.memory_space<vmem>>[vector<16xi32>], vector<16xf32>, vector<16xi1>
      %sub3A_194 = vector.broadcast %mul3A_106 : i32 to vector<16xi32>
      %sub3A_195 = arith.subi %get3A_183, %sub3A_194 : vector<16xi32>
      %mul3A_196 = arith.constant 16 : i32
      %mul3A_197 = arith.muli %add3A_175, %mul3A_196 : i32
      %get3A_198 = arith.index_cast %mul3A_197 : i32 to index
      %get3A_199 = tpu.vector_load %arg12[%get3A_198] {strides = array<i32>} : memref<1088xi32, #tpu.memory_space<vmem>>, vector<16xi32>,
      tpu.vector_store_idx %arg15[%sub3A_195], %get3A_199 masked %and3A_191 : memref<112xi32, #tpu.memory_space<vmem>>[vector<16xi32>], vector<16xi32>, vector<16xi1>
      %while3A_200 = arith.constant 0 : i32
      scf.yield %while3A_200 : i32
    }
    %add3A_128 = arith.constant 15 : i32
    %add3A_129 = arith.addi %select_n3A_54, %add3A_128 : i32
    %shift_right_arithmetic3A_130 = arith.constant 4 : i32
    %shift_right_arithmetic3A_131 = arith.shrsi %add3A_129, %shift_right_arithmetic3A_130 : i32
    %while3A_132 = arith.constant 34 : i32
    %while3A_133 = arith.constant 0 : i32
    %while3A_134 = arith.constant 0 : i32
    %while3A_135 = arith.subi %shift_right_arithmetic3A_131, %while3A_133 : i32
    %while3A_136 = arith.addi %while3A_133, %while3A_135 : i32
    %while3A_137 = arith.constant 1 : i32
    %while3A_138 = arith.divsi %while3A_135, %while3A_137 : i32
    %while3A_139 = arith.muli %while3A_138, %while3A_137 : i32
    %while3A_140 = arith.addi %while3A_133, %while3A_139 : i32
    %while3A_141 = arith.constant 1 : i32
    %while3A_142 = scf.for %while3A_173 = %while3A_133 to %while3A_140 step %while3A_141 iter_args(%while3A_174 = %while3A_134) -> (i32)  : i32 {
      %add3A_175 = arith.addi %while3A_132, %while3A_173 : i32
      %mul3A_176 = arith.constant 16 : i32
      %mul3A_177 = arith.muli %add3A_175, %mul3A_176 : i32
      %get3A_178 = arith.index_cast %mul3A_177 : i32 to index
      %get3A_179 = tpu.vector_load %arg11[%get3A_178] {strides = array<i32>} : memref<1088xf32, #tpu.memory_space<vmem>>, vector<16xf32>,
      %mul3A_180 = arith.constant 16 : i32
      %mul3A_181 = arith.muli %add3A_175, %mul3A_180 : i32
      %get3A_182 = arith.index_cast %mul3A_181 : i32 to index
      %get3A_183 = tpu.vector_load %arg13[%get3A_182] {strides = array<i32>} : memref<1088xi32, #tpu.memory_space<vmem>>, vector<16xi32>,
      %ge3A = arith.constant 0.000000e+00 : f32
      %ge3A_184 = vector.broadcast %ge3A : f32 to vector<16xf32>
      %ge3A_185 = arith.cmpf oge, %get3A_179, %ge3A_184 : vector<16xf32>
      %ge3A_186 = vector.broadcast %mul3A_106 : i32 to vector<16xi32>
      %ge3A_187 = arith.cmpi sge, %get3A_183, %ge3A_186 : vector<16xi32>
      %and3A_188 = arith.andi %ge3A_185, %ge3A_187 : vector<16xi1>
      %add3A_189 = arith.addi %mul3A_106, %add3A_110 : i32
      %lt3A = vector.broadcast %add3A_189 : i32 to vector<16xi32>
      %lt3A_190 = arith.cmpi slt, %get3A_183, %lt3A : vector<16xi32>
      %and3A_191 = arith.andi %and3A_188, %lt3A_190 : vector<16xi1>
      %sub3A_192 = vector.broadcast %mul3A_106 : i32 to vector<16xi32>
      %sub3A_193 = arith.subi %get3A_183, %sub3A_192 : vector<16xi32>
      tpu.vector_store_idx %arg14[%sub3A_193], %get3A_179 masked %and3A_191 : memref<112xf32, #tpu.memory_space<vmem>>[vector<16xi32>], vector<16xf32>, vector<16xi1>
      %sub3A_194 = vector.broadcast %mul3A_106 : i32 to vector<16xi32>
      %sub3A_195 = arith.subi %get3A_183, %sub3A_194 : vector<16xi32>
      %mul3A_196 = arith.constant 16 : i32
      %mul3A_197 = arith.muli %add3A_175, %mul3A_196 : i32
      %get3A_198 = arith.index_cast %mul3A_197 : i32 to index
      %get3A_199 = tpu.vector_load %arg12[%get3A_198] {strides = array<i32>} : memref<1088xi32, #tpu.memory_space<vmem>>, vector<16xi32>,
      tpu.vector_store_idx %arg15[%sub3A_195], %get3A_199 masked %and3A_191 : memref<112xi32, #tpu.memory_space<vmem>>[vector<16xi32>], vector<16xi32>, vector<16xi1>
      %while3A_200 = arith.constant 0 : i32
      scf.yield %while3A_200 : i32
    }
    %while3A_143 = arith.constant 1 : i32
    %while3A_144 = scf.for %while3A_173 = %while3A_140 to %while3A_136 step %while3A_143 iter_args(%while3A_174 = %while3A_142) -> (i32)  : i32 {
      %add3A_175 = arith.addi %while3A_132, %while3A_173 : i32
      %mul3A_176 = arith.constant 16 : i32
      %mul3A_177 = arith.muli %add3A_175, %mul3A_176 : i32
      %get3A_178 = arith.index_cast %mul3A_177 : i32 to index
      %get3A_179 = tpu.vector_load %arg11[%get3A_178] {strides = array<i32>} : memref<1088xf32, #tpu.memory_space<vmem>>, vector<16xf32>,
      %mul3A_180 = arith.constant 16 : i32
      %mul3A_181 = arith.muli %add3A_175, %mul3A_180 : i32
      %get3A_182 = arith.index_cast %mul3A_181 : i32 to index
      %get3A_183 = tpu.vector_load %arg13[%get3A_182] {strides = array<i32>} : memref<1088xi32, #tpu.memory_space<vmem>>, vector<16xi32>,
      %ge3A = arith.constant 0.000000e+00 : f32
      %ge3A_184 = vector.broadcast %ge3A : f32 to vector<16xf32>
      %ge3A_185 = arith.cmpf oge, %get3A_179, %ge3A_184 : vector<16xf32>
      %ge3A_186 = vector.broadcast %mul3A_106 : i32 to vector<16xi32>
      %ge3A_187 = arith.cmpi sge, %get3A_183, %ge3A_186 : vector<16xi32>
      %and3A_188 = arith.andi %ge3A_185, %ge3A_187 : vector<16xi1>
      %add3A_189 = arith.addi %mul3A_106, %add3A_110 : i32
      %lt3A = vector.broadcast %add3A_189 : i32 to vector<16xi32>
      %lt3A_190 = arith.cmpi slt, %get3A_183, %lt3A : vector<16xi32>
      %and3A_191 = arith.andi %and3A_188, %lt3A_190 : vector<16xi1>
      %sub3A_192 = vector.broadcast %mul3A_106 : i32 to vector<16xi32>
      %sub3A_193 = arith.subi %get3A_183, %sub3A_192 : vector<16xi32>
      tpu.vector_store_idx %arg14[%sub3A_193], %get3A_179 masked %and3A_191 : memref<112xf32, #tpu.memory_space<vmem>>[vector<16xi32>], vector<16xf32>, vector<16xi1>
      %sub3A_194 = vector.broadcast %mul3A_106 : i32 to vector<16xi32>
      %sub3A_195 = arith.subi %get3A_183, %sub3A_194 : vector<16xi32>
      %mul3A_196 = arith.constant 16 : i32
      %mul3A_197 = arith.muli %add3A_175, %mul3A_196 : i32
      %get3A_198 = arith.index_cast %mul3A_197 : i32 to index
      %get3A_199 = tpu.vector_load %arg12[%get3A_198] {strides = array<i32>} : memref<1088xi32, #tpu.memory_space<vmem>>, vector<16xi32>,
      tpu.vector_store_idx %arg15[%sub3A_195], %get3A_199 masked %and3A_191 : memref<112xi32, #tpu.memory_space<vmem>>[vector<16xi32>], vector<16xi32>, vector<16xi1>
      %while3A_200 = arith.constant 0 : i32
      scf.yield %while3A_200 : i32
    }
    %scan3A_145 = arith.constant 0 : i32
    %scan3A_146 = arith.constant 7 : i32
    %scan3A_147 = arith.addi %scan3A_145, %scan3A_146 : i32
    %scan3A_148 = arith.constant 1 : i32
    scf.for %scan3A_173 = %scan3A_145 to %scan3A_147 step %scan3A_148  : i32 {
      %mul3A_174 = arith.constant 1 : i32
      %mul3A_175 = arith.muli %scan3A_173, %mul3A_174 : i32
      %add3A_176 = arith.constant 0 : i32
      %add3A_177 = arith.addi %add3A_176, %mul3A_175 : i32
      %mul3A_178 = arith.constant 16 : i32
      %mul3A_179 = arith.muli %add3A_177, %mul3A_178 : i32
      %get3A_180 = arith.index_cast %mul3A_179 : i32 to index
      %get3A_181 = tpu.vector_load %arg15[%get3A_180] {strides = array<i32>} : memref<112xi32, #tpu.memory_space<vmem>>, vector<16xi32>,
      %and3A_182 = arith.constant 65535 : i32
      %and3A_183 = vector.broadcast %and3A_182 : i32 to vector<16xi32>
      %and3A_184 = arith.andi %get3A_181, %and3A_183 : vector<16xi32>
      %shift_right_logical3A_185 = arith.constant 7 : i32
      %shift_right_logical3A_186 = vector.broadcast %shift_right_logical3A_185 : i32 to vector<16xi32>
      %shift_right_logical3A_187 = arith.shrui %and3A_184, %shift_right_logical3A_186 : vector<16xi32>
      %mul3A_188 = arith.constant 1024 : i32
      %mul3A_189 = arith.muli %add3A, %mul3A_188 : i32
      %add3A_190 = vector.broadcast %mul3A_189 : i32 to vector<16xi32>
      %add3A_191 = arith.addi %add3A_190, %shift_right_logical3A_187 : vector<16xi32>
      %mul3A_192 = arith.constant 16 : i32
      %mul3A_193 = arith.muli %add3A_177, %mul3A_192 : i32
      %swap3A_194 = arith.index_cast %mul3A_193 : i32 to index
      %swap3A_195 = tpu.vector_load %arg16[%swap3A_194] {strides = array<i32>} : memref<112xi32, #tpu.memory_space<vmem>>, vector<16xi32>,
      tpu.vector_store %arg16[%swap3A_194], %add3A_191 {strides = array<i32>} : memref<112xi32, #tpu.memory_space<vmem>>, vector<16xi32>,
      %mul3A_196 = arith.constant 1024 : i32
      %mul3A_197 = arith.muli %add3A, %mul3A_196 : i32
      %add3A_198 = arith.constant 512 : i32
      %add3A_199 = arith.addi %mul3A_197, %add3A_198 : i32
      %add3A_200 = vector.broadcast %add3A_199 : i32 to vector<16xi32>
      %add3A_201 = arith.addi %add3A_200, %shift_right_logical3A_187 : vector<16xi32>
      %mul3A_202 = arith.constant 16 : i32
      %mul3A_203 = arith.muli %add3A_177, %mul3A_202 : i32
      %swap3A_204 = arith.index_cast %mul3A_203 : i32 to index
      %swap3A_205 = tpu.vector_load %arg17[%swap3A_204] {strides = array<i32>} : memref<112xi32, #tpu.memory_space<vmem>>, vector<16xi32>,
      tpu.vector_store %arg17[%swap3A_204], %add3A_201 {strides = array<i32>} : memref<112xi32, #tpu.memory_space<vmem>>, vector<16xi32>,
    }
    %scan3A_149 = arith.constant 7 : i32
    %dma_start3A = arith.constant 0 : i32
    %dma_start3A_150 = arith.constant 0 : i32
    %dma_start3A_151 = tpu.memref_slice %arg4[%dma_start3A, %dma_start3A_150] : memref<16384x128xf32, #tpu.memory_space<hbm>> -> memref<16384x128xf32, #tpu.memory_space<hbm>>
    tpu.enqueue_indirect_dma source(%dma_start3A_151 : memref<16384x128xf32, #tpu.memory_space<hbm>>) target(%arg18 : memref<112x128xf32, #tpu.memory_space<vmem>>) offsets(%arg16 : memref<112xi32, #tpu.memory_space<vmem>>) semaphore(%arg25 : memref<!tpu.dma_semaphore, #tpu.memory_space<semaphore_mem>>)
    %dma_start3A_152 = arith.constant 0 : i32
    %dma_start3A_153 = arith.constant 0 : i32
    %dma_start3A_154 = tpu.memref_slice %arg4[%dma_start3A_152, %dma_start3A_153] : memref<16384x128xf32, #tpu.memory_space<hbm>> -> memref<16384x128xf32, #tpu.memory_space<hbm>>
    tpu.enqueue_indirect_dma source(%dma_start3A_154 : memref<16384x128xf32, #tpu.memory_space<hbm>>) target(%arg19 : memref<112x128xf32, #tpu.memory_space<vmem>>) offsets(%arg17 : memref<112xi32, #tpu.memory_space<vmem>>) semaphore(%arg25 : memref<!tpu.dma_semaphore, #tpu.memory_space<semaphore_mem>>)
    %dma_wait3A = arith.constant 0 : i32
    %dma_wait3A_155 = arith.constant 0 : i32
    %dma_wait3A_156 = tpu.memref_slice %arg4[%dma_wait3A, %dma_wait3A_155] : memref<16384x128xf32, #tpu.memory_space<hbm>> -> memref<16384x128xf32, #tpu.memory_space<hbm>>
    tpu.wait_indirect_dma semaphore(%arg25 : memref<!tpu.dma_semaphore, #tpu.memory_space<semaphore_mem>>) src(%dma_wait3A_156 : memref<16384x128xf32, #tpu.memory_space<hbm>>) dst(%arg18 : memref<112x128xf32, #tpu.memory_space<vmem>>)
    %dma_wait3A_157 = arith.constant 0 : i32
    %dma_wait3A_158 = arith.constant 0 : i32
    %dma_wait3A_159 = tpu.memref_slice %arg4[%dma_wait3A_157, %dma_wait3A_158] : memref<16384x128xf32, #tpu.memory_space<hbm>> -> memref<16384x128xf32, #tpu.memory_space<hbm>>
    tpu.wait_indirect_dma semaphore(%arg25 : memref<!tpu.dma_semaphore, #tpu.memory_space<semaphore_mem>>) src(%dma_wait3A_159 : memref<16384x128xf32, #tpu.memory_space<hbm>>) dst(%arg19 : memref<112x128xf32, #tpu.memory_space<vmem>>)
    %scan3A_160 = arith.constant 0 : i32
    %scan3A_161 = arith.constant 7 : i32
    %scan3A_162 = arith.addi %scan3A_160, %scan3A_161 : i32
    %scan3A_163 = arith.constant 1 : i32
    scf.for %scan3A_173 = %scan3A_160 to %scan3A_162 step %scan3A_163  : i32 {
      %mul3A_174 = arith.constant 1 : i32
      %mul3A_175 = arith.muli %scan3A_173, %mul3A_174 : i32
      %add3A_176 = arith.constant 0 : i32
      %add3A_177 = arith.addi %add3A_176, %mul3A_175 : i32
      %mul3A_178 = arith.constant 16 : i32
      %mul3A_179 = arith.muli %add3A_177, %mul3A_178 : i32
      %add3A_180 = vector.broadcast %mul3A_179 : i32 to vector<16xi32>
      %add3A_181 = arith.addi %add3A_180, %iota3A : vector<16xi32>
      %lt3A = vector.broadcast %add3A_110 : i32 to vector<16xi32>
      %lt3A_182 = arith.cmpi slt, %add3A_181, %lt3A : vector<16xi32>
      %mul3A_183 = arith.constant 16 : i32
      %mul3A_184 = arith.muli %add3A_177, %mul3A_183 : i32
      %get3A_185 = arith.index_cast %mul3A_184 : i32 to index
      %get3A_186 = tpu.vector_load %arg15[%get3A_185] {strides = array<i32>} : memref<112xi32, #tpu.memory_space<vmem>>, vector<16xi32>,
      %and3A_187 = arith.constant 65535 : i32
      %and3A_188 = vector.broadcast %and3A_187 : i32 to vector<16xi32>
      %and3A_189 = arith.andi %get3A_186, %and3A_188 : vector<16xi32>
      %and3A_190 = arith.constant 127 : i32
      %and3A_191 = vector.broadcast %and3A_190 : i32 to vector<16xi32>
      %and3A_192 = arith.andi %and3A_189, %and3A_191 : vector<16xi32>
      %mul3A_193 = arith.constant 16 : i32
      %mul3A_194 = arith.muli %add3A_177, %mul3A_193 : i32
      %add3A_195 = vector.broadcast %mul3A_194 : i32 to vector<16xi32>
      %add3A_196 = arith.addi %add3A_195, %iota3A : vector<16xi32>
      %gather3A = tpu.vector_load_idx %arg18[%add3A_196, %and3A_192] : memref<112x128xf32, #tpu.memory_space<vmem>>[vector<16xi32>, vector<16xi32>], vector<16xf32>,
      %gather3A_197 = tpu.vector_load_idx %arg19[%add3A_196, %and3A_192] : memref<112x128xf32, #tpu.memory_space<vmem>>[vector<16xi32>, vector<16xi32>], vector<16xf32>,
      %and3A_198 = arith.constant 255 : i32
      %and3A_199 = vector.broadcast %and3A_198 : i32 to vector<16xi32>
      %and3A_200 = arith.andi %and3A_189, %and3A_199 : vector<16xi32>
      %convert_element_type3A_201 = arith.sitofp %and3A_200 : vector<16xi32> to vector<16xf32>
      %shift_right_logical3A_202 = arith.constant 8 : i32
      %shift_right_logical3A_203 = vector.broadcast %shift_right_logical3A_202 : i32 to vector<16xi32>
      %shift_right_logical3A_204 = arith.shrui %and3A_189, %shift_right_logical3A_203 : vector<16xi32>
      %convert_element_type3A_205 = arith.sitofp %shift_right_logical3A_204 : vector<16xi32> to vector<16xf32>
      %mul3A_206 = arith.constant 3.906250e-03 : f32
      %mul3A_207 = vector.broadcast %mul3A_206 : f32 to vector<16xf32>
      %mul3A_208 = arith.mulf %convert_element_type3A_201, %mul3A_207 : vector<16xf32>
      %mul3A_209 = arith.constant 3.906250e-03 : f32
      %mul3A_210 = vector.broadcast %mul3A_209 : f32 to vector<16xf32>
      %mul3A_211 = arith.mulf %convert_element_type3A_205, %mul3A_210 : vector<16xf32>
      %mul3A_212 = arith.constant 5 : i32
      %mul3A_213 = vector.broadcast %mul3A_212 : i32 to vector<16xi32>
      %mul3A_214 = arith.muli %add3A_181, %mul3A_213 : vector<16xi32>
      %mul3A_215 = arith.constant 5.000000e-01 : f32
      %mul3A_216 = vector.broadcast %mul3A_215 : f32 to vector<16xf32>
      %mul3A_217 = arith.mulf %gather3A, %mul3A_216 : vector<16xf32>
      %sub3A_218 = arith.subf %mul3A_208, %mul3A_217 : vector<16xf32>
      tpu.vector_store_idx %arg20[%mul3A_214], %sub3A_218 masked %lt3A_182 : memref<528xf32, #tpu.memory_space<vmem>>[vector<16xi32>], vector<16xf32>, vector<16xi1>
      %add3A_219 = arith.constant 1 : i32
      %add3A_220 = vector.broadcast %add3A_219 : i32 to vector<16xi32>
      %add3A_221 = arith.addi %mul3A_214, %add3A_220 : vector<16xi32>
      %mul3A_222 = arith.constant 5.000000e-01 : f32
      %mul3A_223 = vector.broadcast %mul3A_222 : f32 to vector<16xf32>
      %mul3A_224 = arith.mulf %gather3A_197, %mul3A_223 : vector<16xf32>
      %sub3A_225 = arith.subf %mul3A_211, %mul3A_224 : vector<16xf32>
      tpu.vector_store_idx %arg20[%add3A_221], %sub3A_225 masked %lt3A_182 : memref<528xf32, #tpu.memory_space<vmem>>[vector<16xi32>], vector<16xf32>, vector<16xi1>
      %add3A_226 = arith.constant 2 : i32
      %add3A_227 = vector.broadcast %add3A_226 : i32 to vector<16xi32>
      %add3A_228 = arith.addi %mul3A_214, %add3A_227 : vector<16xi32>
      %mul3A_229 = arith.constant 5.000000e-01 : f32
      %mul3A_230 = vector.broadcast %mul3A_229 : f32 to vector<16xf32>
      %mul3A_231 = arith.mulf %gather3A, %mul3A_230 : vector<16xf32>
      %add3A_232 = arith.addf %mul3A_208, %mul3A_231 : vector<16xf32>
      tpu.vector_store_idx %arg20[%add3A_228], %add3A_232 masked %lt3A_182 : memref<528xf32, #tpu.memory_space<vmem>>[vector<16xi32>], vector<16xf32>, vector<16xi1>
      %add3A_233 = arith.constant 3 : i32
      %add3A_234 = vector.broadcast %add3A_233 : i32 to vector<16xi32>
      %add3A_235 = arith.addi %mul3A_214, %add3A_234 : vector<16xi32>
      %mul3A_236 = arith.constant 5.000000e-01 : f32
      %mul3A_237 = vector.broadcast %mul3A_236 : f32 to vector<16xf32>
      %mul3A_238 = arith.mulf %gather3A_197, %mul3A_237 : vector<16xf32>
      %add3A_239 = arith.addf %mul3A_211, %mul3A_238 : vector<16xf32>
      tpu.vector_store_idx %arg20[%add3A_235], %add3A_239 masked %lt3A_182 : memref<528xf32, #tpu.memory_space<vmem>>[vector<16xi32>], vector<16xf32>, vector<16xi1>
      %add3A_240 = arith.constant 4 : i32
      %add3A_241 = vector.broadcast %add3A_240 : i32 to vector<16xi32>
      %add3A_242 = arith.addi %mul3A_214, %add3A_241 : vector<16xi32>
      %mul3A_243 = arith.constant 16 : i32
      %mul3A_244 = arith.muli %add3A_177, %mul3A_243 : i32
      %get3A_245 = arith.index_cast %mul3A_244 : i32 to index
      %get3A_246 = tpu.vector_load %arg14[%get3A_245] {strides = array<i32>} : memref<112xf32, #tpu.memory_space<vmem>>, vector<16xf32>,
      tpu.vector_store_idx %arg20[%add3A_242], %get3A_246 masked %lt3A_182 : memref<528xf32, #tpu.memory_space<vmem>>[vector<16xi32>], vector<16xf32>, vector<16xi1>
    }
    %scan3A_164 = arith.constant 7 : i32
    %eq3A_165 = arith.constant 0 : i32
    %eq3A_166 = arith.cmpi eq, %and3A_2, %eq3A_165 : i32
    %convert_element_type3A = arith.extui %eq3A_166 : i1 to i32
    %cond3A = arith.constant 0 : i32
    %cond3A_167 = arith.cmpi ne, %convert_element_type3A, %cond3A : i32
    scf.if %cond3A_167 {
      %mul3A_173 = arith.constant 1008 : i32
      %mul3A_174 = arith.muli %add3A, %mul3A_173 : i32
      "tpu.region"() ({
        %run_scoped3A = tpu.sem_alloc : memref<!tpu.dma_semaphore, #tpu.memory_space<semaphore_mem>>
        %dma_start3A_175 = arith.constant 0 : i32
        %dma_start3A_176 = tpu.memref_slice %arg20[%dma_start3A_175] : memref<528xf32, #tpu.memory_space<vmem>> -> memref<480xf32, #tpu.memory_space<vmem>>
        %dma_start3A_177 = tpu.memref_slice %arg5[%mul3A_174] : memref<16128xf32, #tpu.memory_space<hbm>> -> memref<480xf32, #tpu.memory_space<hbm>>
        %dma_start3A_178 = tpu.memref_slice %arg5[%mul3A_174] : memref<16128xf32, #tpu.memory_space<hbm>> -> memref<480xf32, #tpu.memory_space<hbm>>
        %dma_start3A_179 = arith.constant 0 : i32
        %dma_start3A_180 = tpu.memref_slice %arg20[%dma_start3A_179] : memref<528xf32, #tpu.memory_space<vmem>> -> memref<480xf32, #tpu.memory_space<vmem>>
        tpu.enqueue_dma source(%dma_start3A_180 : memref<480xf32, #tpu.memory_space<vmem>>) target(%dma_start3A_178 : memref<480xf32, #tpu.memory_space<hbm>>) target_semaphore(%run_scoped3A : memref<!tpu.dma_semaphore, #tpu.memory_space<semaphore_mem>>)
        %dma_wait3A_181 = arith.constant 0 : i32
        %dma_wait3A_182 = tpu.memref_slice %arg20[%dma_wait3A_181] : memref<528xf32, #tpu.memory_space<vmem>> -> memref<480xf32, #tpu.memory_space<vmem>>
        %dma_wait3A_183 = tpu.memref_slice %arg5[%mul3A_174] : memref<16128xf32, #tpu.memory_space<hbm>> -> memref<480xf32, #tpu.memory_space<hbm>>
        %dma_wait3A_184 = tpu.memref_slice %arg5[%mul3A_174] : memref<16128xf32, #tpu.memory_space<hbm>> -> memref<480xf32, #tpu.memory_space<hbm>>
        %dma_wait3A_185 = arith.constant 0 : i32
        %dma_wait3A_186 = tpu.memref_slice %arg20[%dma_wait3A_185] : memref<528xf32, #tpu.memory_space<vmem>> -> memref<480xf32, #tpu.memory_space<vmem>>
        tpu.wait_dma2 semaphore(%run_scoped3A : memref<!tpu.dma_semaphore, #tpu.memory_space<semaphore_mem>>) src(%dma_wait3A_186 : memref<480xf32, #tpu.memory_space<vmem>>) dst(%dma_wait3A_184 : memref<480xf32, #tpu.memory_space<hbm>>)
        tpu.yield
      }) : () -> ()
    } else {
    }
    %eq3A_168 = arith.constant 1 : i32
    %eq3A_169 = arith.cmpi eq, %and3A_2, %eq3A_168 : i32
    %convert_element_type3A_170 = arith.extui %eq3A_169 : i1 to i32
    %cond3A_171 = arith.constant 0 : i32
    %cond3A_172 = arith.cmpi ne, %convert_element_type3A_170, %cond3A_171 : i32
    scf.if %cond3A_172 {
      %mul3A_173 = arith.constant 1008 : i32
      %mul3A_174 = arith.muli %add3A, %mul3A_173 : i32
      %add3A_175 = arith.constant 480 : i32
      %add3A_176 = arith.addi %mul3A_174, %add3A_175 : i32
      "tpu.region"() ({
        %run_scoped3A = tpu.sem_alloc : memref<!tpu.dma_semaphore, #tpu.memory_space<semaphore_mem>>
        %dma_start3A_177 = tpu.memref_slice %arg5[%add3A_176] : memref<16128xf32, #tpu.memory_space<hbm>> -> memref<528xf32, #tpu.memory_space<hbm>>
        %dma_start3A_178 = tpu.memref_slice %arg5[%add3A_176] : memref<16128xf32, #tpu.memory_space<hbm>> -> memref<528xf32, #tpu.memory_space<hbm>>
        tpu.enqueue_dma source(%arg20 : memref<528xf32, #tpu.memory_space<vmem>>) target(%dma_start3A_178 : memref<528xf32, #tpu.memory_space<hbm>>) target_semaphore(%run_scoped3A : memref<!tpu.dma_semaphore, #tpu.memory_space<semaphore_mem>>)
        %dma_wait3A_179 = tpu.memref_slice %arg5[%add3A_176] : memref<16128xf32, #tpu.memory_space<hbm>> -> memref<528xf32, #tpu.memory_space<hbm>>
        %dma_wait3A_180 = tpu.memref_slice %arg5[%add3A_176] : memref<16128xf32, #tpu.memory_space<hbm>> -> memref<528xf32, #tpu.memory_space<hbm>>
        tpu.wait_dma2 semaphore(%run_scoped3A : memref<!tpu.dma_semaphore, #tpu.memory_space<semaphore_mem>>) src(%arg20 : memref<528xf32, #tpu.memory_space<vmem>>) dst(%dma_wait3A_180 : memref<528xf32, #tpu.memory_space<hbm>>)
        tpu.yield
      }) : () -> ()
    } else {
    }
    return
  }
}

module attributes {stable_mosaic.version = 14 : i64} {
  func.func @_peaks_body(%arg0: memref<16x1x256x256xf32, #tpu.memory_space<vmem>>, %arg1: memref<16x512x128xf32, #tpu.memory_space<vmem>>, %arg2: memref<16x1x128xf32, #tpu.memory_space<vmem>>) attributes {dimension_semantics = [], scalar_prefetch = 0 : i64, scratch_operands = 0 : i64, tpu.core_type = #tpu.core_type<tc>} {
    %get3A = arith.constant 0 : index
    %get3A_0 = arith.constant 0 : index
    %get3A_1 = arith.constant 0 : index
    %get3A_2 = arith.constant 0 : index
    %get3A_3 = vector.load %arg0[%get3A, %get3A_0, %get3A_1, %get3A_2] : memref<16x1x256x256xf32, #tpu.memory_space<vmem>>, vector<16x1x256x256xf32>
    %get3A_4 = vector.shape_cast %get3A_3 : vector<16x1x256x256xf32> to vector<16x256x256xf32>
    %broadcast_in_dim3A = arith.constant 0xFF800000 : f32
    %broadcast_in_dim3A_5 = vector.broadcast %broadcast_in_dim3A : f32 to vector<16x256x1xf32>
    %slice3A = vector.extract_strided_slice %get3A_4 {offsets = [0, 0, 0], sizes = [16, 256, 255], strides = [1, 1, 1]} : vector<16x256x256xf32> to vector<16x256x255xf32>
    %concatenate3A = tpu.concatenate %broadcast_in_dim3A_5, %slice3A in 2 : vector<16x256x1xf32>, vector<16x256x255xf32> -> vector<16x256x256xf32>
    %slice3A_6 = vector.extract_strided_slice %get3A_4 {offsets = [0, 0, 1], sizes = [16, 256, 255], strides = [1, 1, 1]} : vector<16x256x256xf32> to vector<16x256x255xf32>
    %broadcast_in_dim3A_7 = arith.constant 0xFF800000 : f32
    %broadcast_in_dim3A_8 = vector.broadcast %broadcast_in_dim3A_7 : f32 to vector<16x256x1xf32>
    %concatenate3A_9 = tpu.concatenate %slice3A_6, %broadcast_in_dim3A_8 in 2 : vector<16x256x255xf32>, vector<16x256x1xf32> -> vector<16x256x256xf32>
    %max3A = arith.maximumf %concatenate3A, %concatenate3A_9 : vector<16x256x256xf32>
    %max3A_10 = arith.maximumf %max3A, %get3A_4 : vector<16x256x256xf32>
    %broadcast_in_dim3A_11 = arith.constant 0xFF800000 : f32
    %broadcast_in_dim3A_12 = vector.broadcast %broadcast_in_dim3A_11 : f32 to vector<16x1x256xf32>
    %slice3A_13 = vector.extract_strided_slice %max3A_10 {offsets = [0, 0, 0], sizes = [16, 255, 256], strides = [1, 1, 1]} : vector<16x256x256xf32> to vector<16x255x256xf32>
    %concatenate3A_14 = tpu.concatenate %broadcast_in_dim3A_12, %slice3A_13 in 1 : vector<16x1x256xf32>, vector<16x255x256xf32> -> vector<16x256x256xf32>
    %slice3A_15 = vector.extract_strided_slice %max3A_10 {offsets = [0, 1, 0], sizes = [16, 255, 256], strides = [1, 1, 1]} : vector<16x256x256xf32> to vector<16x255x256xf32>
    %broadcast_in_dim3A_16 = arith.constant 0xFF800000 : f32
    %broadcast_in_dim3A_17 = vector.broadcast %broadcast_in_dim3A_16 : f32 to vector<16x1x256xf32>
    %concatenate3A_18 = tpu.concatenate %slice3A_15, %broadcast_in_dim3A_17 in 1 : vector<16x255x256xf32>, vector<16x1x256xf32> -> vector<16x256x256xf32>
    %max3A_19 = arith.maximumf %concatenate3A_14, %concatenate3A_18 : vector<16x256x256xf32>
    %max3A_20 = arith.maximumf %max3A_19, %max3A_10 : vector<16x256x256xf32>
    %eq3A = arith.cmpf oeq, %max3A_20, %get3A_4 : vector<16x256x256xf32>
    %broadcast_in_dim3A_21 = arith.constant 0.000000e+00 : f32
    %broadcast_in_dim3A_22 = vector.broadcast %broadcast_in_dim3A_21 : f32 to vector<16x256x256xf32>
    %select_n3A = arith.select %eq3A, %get3A_4, %broadcast_in_dim3A_22 : vector<16x256x256xi1>, vector<16x256x256xf32>
    %reshape3A = vector.shape_cast %select_n3A : vector<16x256x256xf32> to vector<16x512x128xf32>
    %swap3A = arith.constant 0 : index
    %swap3A_23 = arith.constant 0 : index
    %swap3A_24 = arith.constant 0 : index
    %swap3A_25 = vector.load %arg1[%swap3A, %swap3A_23, %swap3A_24] : memref<16x512x128xf32, #tpu.memory_space<vmem>>, vector<16x512x128xf32>
    tpu.vector_store %arg1[%swap3A, %swap3A_23, %swap3A_24], %reshape3A {strides = array<i32>} : memref<16x512x128xf32, #tpu.memory_space<vmem>>, vector<16x512x128xf32>,
    %bitcast_convert_type3A = tpu.bitcast %select_n3A : vector<16x256x256xf32> -> vector<16x256x256xi32>
    %broadcast_in_dim3A_26 = arith.constant 0 : i32
    %broadcast_in_dim3A_27 = vector.broadcast %broadcast_in_dim3A_26 : i32 to vector<16x1x1xi32>
    %scan3A = arith.constant 0 : i32
    %scan3A_28 = arith.constant 30 : i32
    %scan3A_29 = arith.addi %scan3A, %scan3A_28 : i32
    %scan3A_30 = arith.constant 1 : i32
    %scan3A_31 = scf.for %scan3A_40 = %scan3A to %scan3A_29 step %scan3A_30 iter_args(%scan3A_41 = %broadcast_in_dim3A_27) -> (vector<16x1x1xi32>)  : i32 {
      %sub3A = arith.constant 29 : i32
      %sub3A_42 = arith.subi %sub3A, %scan3A_40 : i32
      %shift_left3A = arith.constant 1 : i32
      %shift_left3A_43 = arith.shli %shift_left3A, %sub3A_42 : i32
      %or3A = vector.broadcast %shift_left3A_43 : i32 to vector<16x1x1xi32>
      %or3A_44 = arith.ori %scan3A_41, %or3A : vector<16x1x1xi32>
      %ge3A = vector.broadcast %or3A_44 : vector<16x1x1xi32> to vector<16x256x256xi32>
      %ge3A_45 = arith.cmpi sge, %bitcast_convert_type3A, %ge3A : vector<16x256x256xi32>
      %convert_element_type3A = arith.extui %ge3A_45 : vector<16x256x256xi1> to vector<16x256x256xi32>
      %reduce_sum3A = arith.constant dense<0> : vector<16xi32>
      %reduce_sum3A_46 = vector.multi_reduction <add>, %convert_element_type3A, %reduce_sum3A [1, 2] : vector<16x256x256xi32> to vector<16xi32>
      %broadcast_in_dim3A_47 = vector.shape_cast %reduce_sum3A_46 : vector<16xi32> to vector<16x1x1xi32>
      %ge3A_48 = arith.constant 200 : i32
      %ge3A_49 = vector.broadcast %ge3A_48 : i32 to vector<16x1x1xi32>
      %ge3A_50 = arith.cmpi sge, %broadcast_in_dim3A_47, %ge3A_49 : vector<16x1x1xi32>
      %select_n3A_51 = arith.select %ge3A_50, %or3A_44, %scan3A_41 : vector<16x1x1xi1>, vector<16x1x1xi32>
      scf.yield %select_n3A_51 : vector<16x1x1xi32>
    }
    %scan3A_32 = arith.constant 30 : i32
    %bitcast_convert_type3A_33 = tpu.bitcast %scan3A_31 : vector<16x1x1xi32> -> vector<16x1x1xf32>
    %broadcast_in_dim3A_34 = vector.shape_cast %bitcast_convert_type3A_33 : vector<16x1x1xf32> to vector<16x1x1xf32>
    %broadcast_in_dim3A_35 = vector.broadcast %broadcast_in_dim3A_34 : vector<16x1x1xf32> to vector<16x1x128xf32>
    %swap3A_36 = arith.constant 0 : index
    %swap3A_37 = arith.constant 0 : index
    %swap3A_38 = arith.constant 0 : index
    %swap3A_39 = vector.load %arg2[%swap3A_36, %swap3A_37, %swap3A_38] : memref<16x1x128xf32, #tpu.memory_space<vmem>>, vector<16x1x128xf32>
    tpu.vector_store %arg2[%swap3A_36, %swap3A_37, %swap3A_38], %broadcast_in_dim3A_35 {strides = array<i32>} : memref<16x1x128xf32, #tpu.memory_space<vmem>>, vector<16x1x128xf32>,
    return
  }
}

</mosaic_0001>

<sc_bundles>
// kernel: kernel.4.cloned.1.call-start
scs
__scs_entry_jumppad:
0x0: {  	(pc) =	sbr.rel $0x88, $3  }
0x1: {  	(tag) =	ssettag $0x0;
	lr =	simm.s32 $0x1  }
0x2: {  	[smem:$0x3F9F] =	sst lr;
	_ =	strace $0xD0000000  }
0x3: {  	_ = 	snop  }
0x4: {  	_ = 	snop  }
0x5: {  	_ = 	snop  }
0x6: {  	_ = 	snop  }
0x7: {  	_ = 	snop  }
__scs_overlays_trampoline_lowered:
0x8: {  	[smem:$0x3FAE] =	sst s0  }
0x9: {  	[smem:$0x3FAF] =	sst s1  }
0xa: {  	[smem:$0x3FB0] =	sst s2  }
0xb: {  	[smem:$0x3FB1] =	sst s3  }
0xc: {  	[smem:$0x3FB2] =	sst s4  }
0xd: {  	[smem:$0x3FB3] =	sst s5  }
0xe: {  	[smem:$0x3FB4] =	sst s6  }
0xf: {  	[smem:$0x3FB5] =	sst s7  }
0x10: {  	[smem:$0x3FB6] =	sst s8  }
0x11: {  	[smem:$0x3FB7] =	sst s9;
	s0 =	simm.s32 @!p0 $0x0  }
0x12: {  	s1 =	sld [smem:$0x3F9D];
	s0 =	simm.s32 @p0 $0x1  }
0x13: {  	[smem:$0x3FB8] =	sst s0;
	s0 =	simm.s32 @!p1 $0x0  }
0x14: {  	s2 =	sld [smem:$0x3F9C];
	s0 =	simm.s32 @p1 $0x1  }
0x15: {  	[smem:$0x3FB9] =	sst s0;
	s0 =	simm.s32 @!p2 $0x0  }
0x16: {  	s3 =	sld [smem:$0x3FDB];
	s0 =	simm.s32 @p2 $0x1  }
0x17: {  	s4 =	simm.s32 $0x1BF5;
	[smem:$0x3FBB] =	sst s0  }
0x18: {  	s0 =	sld [smem:$0x3F9E];
	_ =	swait.ge [sflag:s4], $0x0  }
0x19: {  	s7 =	sld [smem:$0x3F9F]  }
0x1a: {  	s8 =	sadd.s32 $0xFFFFE003, lr  }
0x1b: {  	s9 =	sadd.s32 $0xFFFFFEF7, lr;
	s5 =	simm.s32 $0xFFFFFFFF;
	p2 =	slt.u32 s8, $0xFFFFF086  }
0x1c: {  	p1 =	slt.u32 s9, $0xF7A;
	s5 =	simm.s32 @!p2 $0x0  }
0x1d: {  	s5 =	simm.s32 @p1 $0x1;
	p0 =	seq.s32 s7, s2  }
0x1e: {  	s7 =	smul.u32 @!p0 $0xF7A, s2;
	p2 =	seq.s32 @!p0 s5, $0x0  }
0x1f: {  	s9 =	smul.u32 $0xF7A, s1;
	s8 =	simm.s32 @!p0 $0x1BF5;
	p2 =	por !p2, p0  }
0x20: {  	[sflag:s8] =	ssyncset.s32 @!p0 $0xFFFFF086;
	s6 =	sadd.s32 @!p0 s3, s7;
	s7 =	simm.s32 @!p0 $0x108  }
0x21: {  	s3 =	sadd.s32 s3, s9;
	s6 =	sadd.s32 @!p0 $0x88, s6;
	s7 =	simm.s32 @p2 $0x1082  }
0x22: {  	[simem:s7], [sflag:s8] =	dma.local @!p0 [hbm:s6], $0xF7A  }
0x23: {  	s9 =	sor.u32 $0xD0000000, s2;
	s6 =	simm.s32 $0x108;
	_ =	swait.ge @!p0 [sflag:s8], $0x0  }
0x24: {  	s3 =	sadd.s32 $0x88, s3;
	s6 =	simm.s32 @!p1 $0x1082;
	[sflag:s4] =	ssyncset.s32 $0xFFFFF086  }
0x25: {  	[simem:s6], [sflag:s4] =	dma.local [hbm:s3], $0xF7A  }
0x26: {  	[smem:$0x3F9F] =	sst s1;
	(tag) =	ssettag s2;
	_ =	strace s9  }
0x27: {  	s1 =	sld [smem:$0x3FAF]  }
0x28: {  	s2 =	sld [smem:$0x3FB0]  }
0x29: {  	s4 =	sld [smem:$0x3FB2]  }
0x2a: {  	p0 =	seq.s32 s5, $0x0;
	s5 =	sld [smem:$0x3FB3]  }
0x2b: {  	s6 =	sld [smem:$0x3FB4]  }
0x2c: {  	s7 =	sld [smem:$0x3FB5]  }
0x2d: {  	s3 =	simm.s32 $0x108;
	s8 =	sld [smem:$0x3FB6]  }
0x2e: {  	s3 =	simm.s32 @!p0 $0x1082;
	s9 =	sld [smem:$0x3FB7]  }
0x2f: {  	lr =	sadd.s32 s0, s3;
	s0 =	sld [smem:$0x3FAE]  }
0x30: {  	s3 =	sld [smem:$0x3FB1]  }
0x31: {  	[smem:$0x3FBA] =	sst s10  }
0x32: {  	s10 =	sld [smem:$0x3FB8];
	_ =	sdelay $0x3  }
0x33: {  	p0 =	seq.s32 s10, $0x1;
	s10 =	sld [smem:$0x3FBA];
	_ =	sdelay $0x3  }
0x34: {  	[smem:$0x3FBA] =	sst s10  }
0x35: {  	s10 =	sld [smem:$0x3FB9];
	_ =	sdelay $0x3  }
0x36: {  	p1 =	seq.s32 s10, $0x1;
	s10 =	sld [smem:$0x3FBA];
	_ =	sdelay $0x3  }
0x37: {  	[smem:$0x3FBA] =	sst s10  }
0x38: {  	s10 =	sld [smem:$0x3FBB]  }
0x39: {  	_ = 	snop;
	(pc) =	sbr.ind lr, $3  }
0x3a: {  	_ = 	snop  }
0x3b: {  	_ = 	snop  }
0x3c: {  	p2 =	seq.s32 s10, $0x1;
	s10 =	sld [smem:$0x3FBA]  }
0x3d: {  	_ =	shalt  }
0x3e: {  	_ =	shalt  }
0x3f: {  	_ =	shalt  }
0x40: {  	_ =	shalt  }
0x41: {  	_ =	shalt  }
0x42: {  	_ =	shalt  }
0x43: {  	_ =	shalt  }
0x44: {  	_ =	shalt  }
0x45: {  	_ =	shalt  }
0x46: {  	_ =	shalt  }
0x47: {  	_ =	shalt  }
0x48: {  	_ =	shalt  }
0x49: {  	_ =	shalt  }
0x4a: {  	_ =	shalt  }
0x4b: {  	_ =	shalt  }
0x4c: {  	_ =	shalt  }
0x4d: {  	_ =	shalt  }
0x4e: {  	_ =	shalt  }
0x4f: {  	_ =	shalt  }
0x50: {  	_ =	shalt  }
0x51: {  	_ =	shalt  }
0x52: {  	_ =	shalt  }
0x53: {  	_ =	shalt  }
0x54: {  	_ =	shalt  }
0x55: {  	_ =	shalt  }
0x56: {  	_ =	shalt  }
0x57: {  	_ =	shalt  }
0x58: {  	_ =	shalt  }
0x59: {  	_ =	shalt  }
0x5a: {  	_ =	shalt  }
0x5b: {  	_ =	shalt  }
0x5c: {  	_ =	shalt  }
0x5d: {  	_ =	shalt  }
0x5e: {  	_ =	shalt  }
0x5f: {  	_ =	shalt  }
0x60: {  	_ =	shalt  }
0x61: {  	_ =	shalt  }
0x62: {  	_ =	shalt  }
0x63: {  	_ =	shalt  }
0x64: {  	_ =	shalt  }
0x65: {  	_ =	shalt  }
0x66: {  	_ =	shalt  }
0x67: {  	_ =	shalt  }
0x68: {  	_ =	shalt  }
0x69: {  	_ =	shalt  }
0x6a: {  	_ =	shalt  }
0x6b: {  	_ =	shalt  }
0x6c: {  	_ =	shalt  }
0x6d: {  	_ =	shalt  }
0x6e: {  	_ =	shalt  }
0x6f: {  	_ =	shalt  }
0x70: {  	_ =	shalt  }
0x71: {  	_ =	shalt  }
0x72: {  	_ =	shalt  }
0x73: {  	_ =	shalt  }
0x74: {  	_ =	shalt  }
0x75: {  	_ =	shalt  }
0x76: {  	_ =	shalt  }
0x77: {  	_ =	shalt  }
0x78: {  	_ =	shalt  }
0x79: {  	_ =	shalt  }
0x7a: {  	_ =	shalt  }
0x7b: {  	_ =	shalt  }
0x7c: {  	_ =	shalt  }
0x7d: {  	_ =	shalt  }
0x7e: {  	_ =	shalt  }
0x7f: {  	_ =	shalt  }
0x80: {  	_ =	shalt  }
0x81: {  	_ =	shalt  }
0x82: {  	_ =	shalt  }
0x83: {  	_ =	shalt  }
0x84: {  	_ =	shalt  }
0x85: {  	_ =	shalt  }
0x86: {  	_ =	shalt  }
0x87: {  	_ =	shalt  }
.Lfunc_end0:
.L_simem_size_0:
called_computation_lowered:
.L_overlay_start_0:
0x88: {  	s2 =	sld [smem:$0x3FD9]  }
0x89: {  	s3 =	sld [smem:$0x3FFE];
	_ =	sdelay $0x1  }
0x8a: {  	s1 =	srdreg.scid  }
0x8b: {  	s0 =	sand.u32 $0x1, s1  }
0x8c: {  	s17 =	sshll.u32 s0, $0xA;
	s2 =	sadd.s32 s3, s2  }
0x8d: {  	s2 =	sadd.s32 s2, s17  }
0x8e: {  	[smem:$0x3FC6] =	sst s2  }
0x8f: {  	_ = 	snop  }
0x90: {  	s2 =	sld [smem:$0x3FD0];
	(tm) =	ssettm $0x1  }
0x91: {  	s18 =	sld [smem:$0x3FFB];
	_ =	sdelay $0x3  }
0x92: {  	_ =	strace s18  }
0x93: {  	s3 =	sld [smem:$0x3FFC];
	_ =	sdelay $0x3  }
0x94: {  	_ =	strace s3  }
0x95: {  	s3 =	sld [smem:$0x3FFD];
	_ =	sdelay $0x3  }
0x96: {  	_ =	strace s3  }
0x97: {  	_ =	strace $0x8FFFFFFF  }
0x98: {  	s19 =	sld [smem:$0x3FDB];
	_ =	sdelay $0x1  }
0x99: {  	s4 =	simm.s32 $_scs_section_size  }
0x9a: {  	s5 =	simm.s32 $_size__tile_overlayer_lowered;
	s6 =	simm.s32 $_tile_overlayer_lowered  }
0x9b: {  	s22 =	simm.s32 $0x1BFF;
	s21 =	sshll.u32 s6, $0x1;
	s3 =	sadd.s32 s4, s19  }
0x9c: {  	s7 =	simm.s32 $0x0;
	s20 =	sshll.u32 s5, $0x1;
	s5 =	sadd.s32 s21, s3  }
0x9d: {  	[timem:s7], [sflag:s22] =	dma.local [hbm:s5], s20  }
0x9e: {  	_ =	swait.ge [sflag:s22], s20  }
0x9f: {  	s4 =	ssub.s32 $0x0, s20;
	[sflag:s22] =	ssyncset.done $0x0  }
0xa0: {  	[sflag:s22] =	ssyncadd.s32 s4;
	_ =	sdelay $0x1  }
0xa1: {  	s23 =	simm.s32 $0x1B8B  }
0xa2: {  	_ =	swait.ge [sflag:s23], $0x1  }
0xa3: {  	[sflag:s23] =	ssyncset.done $0x0  }
0xa4: {  	s25 =	simm.s32 $0x1B8E;
	s24 =	sld [smem:$0x3FFE];
	[sflag:s23] =	ssyncadd.s32 $0xFFFFFFFF  }
0xa5: {  	s26 =	simm.s32 $execute0_lowered;
	[smem:$0x3FD2] =	sst s25  }
0xa6: {  	s5 =	sshll.u32 s26, $0x1;
	_ =	strace $0x80000046;
	[dreg:$0x1] =	wrdreg $0xFFFFFFFF  }
0xa7: {  	s28 =	simm.s32 $_size_execute0_lowered;
	s3 =	sadd.s32 s3, s5;
	[dreg:$0x0] =	wrdreg $0x0  }
0xa8: {  	s5 =	sshll.u32 s28, $0x1;
	[dreg:$0x2] =	wrdreg s3  }
0xa9: {  	[dreg:$0x3] =	wrdreg s5  }
0xaa: {  	[dreg:$0x4] =	wrdreg $0xC0  }
0xab: {  	_ =	task [dreg:s7], $0x5FFFF  }
0xac: {  	[dreg:$0x1] =	wrdreg $0xFFFFFFFF  }
0xad: {  	[dreg:$0x0] =	wrdreg $0x60  }
0xae: {  	[dreg:$0x2] =	wrdreg s24  }
0xaf: {  	[dreg:$0x3] =	wrdreg s2  }
0xb0: {  	[dreg:$0x4] =	wrdreg $0x108100  }
0xb1: {  	[dreg:$0x5] =	wrdreg $0x10A300  }
0xb2: {  	[dreg:$0x6] =	wrdreg $0x108000  }
0xb3: {  	[dreg:$0x7] =	wrdreg $0x10C500  }
0xb4: {  	[dreg:$0x8] =	wrdreg $0x9  }
0xb5: {  	_ =	task.clear_ibuf [dreg:s7], $0x9FFFF;
	_ =	strace $0x90000046  }
0xb6: {  	s29 =	simm.s32 $0x9;
	_ =	strace $0x80000048  }
0xb7: {  	_ =	swait.ge [sflag:s29], $0x1  }
0xb8: {  	[sflag:s29] =	ssyncadd.s32 $0xFFFFFFFF  }
0xb9: {  	_ =	strace $0x90000048  }
0xba: {  	_ =	sfence  }
0xbb: {  	s30 =	sld [smem:$0x0];
	_ =	sdelay $0x2  }
0xbc: {  	s31 =	sshll.u32 s1, $0xD;
	s1 =	sshrl.u32 s1, $0x2  }
0xbd: {  	s3 =	sand.u32 $0x4000, s31;
	s1 =	sadd.s32 s1, s30  }
0xbe: {  	s0 =	sor.u32 s3, s0;
	s1 =	sshll.u32 s1, $0x11  }
0xbf: {  	s0 =	sor.u32 s1, s0  }
0xc0: {  	s0 =	sadd.s32 $0x8F2B, s0  }
0xc1: {  	[sflag:s0] =	ssyncadd.remote.s32 $0x1  }
0xc2: {  	_ =	sfence.sel $0xFFFF  }
0xc3: {  	[dreg:$0x0] =	wrdreg $0xFFFFFFFF;
	(pc) =	sbr.abs _section_cstart, $3  }
0xc4: {  	[dreg:$0x1] =	wrdreg $0xFFFFFFFF  }
0xc5: {  	_ =	task.clear_ibuf [dreg:s7], $0x2FFFF;
	_ =	strace $0x9FFFFFFF  }
0xc6: {  	(tm) =	ssettm $0x7FFFFFFF  }
0xc7: {  	_ =	shalt  }
tec
execute0_lowered:
.L_overlay_start_1:
0x0: {  	(tag) =	ssettag $0x1  }
0x1: {  	s0 =	rddreg [dreg:$0x0]  }
0x2: {  	s1 =	rddreg [dreg:$0x1]  }
0x3: {  	s5 =	rddreg [dreg:$0x2]  }
0x4: {  	s6 =	rddreg [dreg:$0x3]  }
0x5: {  	s2 =	srdreg.scid;
	s7 =	rddreg [dreg:$0x4]  }
0x6: {  	s15 =	stileid.u32;
	s8 =	rddreg [dreg:$0x5];
	s28 =	simm.s32 $0x2  }
0x7: {  	s31 =	simm.s32 $0x8580;
	s30 =	simm.s32 $0x9380;
	s29 =	simm.s32 $0x9580  }
0x8: {  	s4 =	sand.u32 $0x1, s2;
	s3 =	sshrl.u32 s15, $0x1;
	s10 =	sand.u32 $0x1, s15  }
0x9: {  	s25 =	sand.u32 $0xE, s15;
	s16 =	sor.u32 $0x1, s15;
	s18 =	sshll.u32 s15, $0x4  }
0xa: {  	s22 =	sxor.u32 $0x1, s15;
	s2 =	sshll.u32 s4, $0x3;
	s26 =	smul.u32 $0x220, s25  }
0xb: {  	s12 =	ssub.s32 $0x2, s4;
	s4 =	sadd.s32 $0x20E00, s0;
	s20 =	smul.u32 $0x880, s10  }
0xc: {  	s21 =	sxor.u32 $0x1, s10;
	p0 =	seq.s32 s10, $0x0;
	p1 =	sne.s32 s10, $0x0  }
0xd: {  	s9 =	sor.u32 s3, s2;
	s2 =	simm.s32 $0x0;
	s3 =	sshll.u32 s10, $0xF  }
0xe: {  	s13 =	sshrl.u32 s12, $0x1;
	s11 =	sshll.u32 s9, $0x10;
	[smem:$0x7FF] =	sst s2  }
0xf: {  	s23 =	sshll.u32 s9, $0x4;
	s19 =	sadd.s32 s26, s5;
	s25 =	smul.u32 $0x3F0, s9  }
0x10: {  	s11 =	sor.u32 s3, s11;
	_ =	strace $0x80000047;
	s14 =	sadd.s32 s23, s0  }
0x11: {  	[dreg:$0xc] =	wrdreg s19;
	s19 =	smul.u32 $0x220, s10;
	s11 =	sshrl.u32 s11, $0x3  }
0x12: {  	s24 =	sadd.s32 $0x20C00, s14;
	s14 =	sadd.s32 s18, s7;
	s11 =	sadd.s32 s11, s0  }
0x13: {  	s0 =	ssub.s32 s12, s13;
	[dreg:$0x7] =	wrdreg s24;
	s12 =	smul.u32 $0x220, s15  }
0x14: {  	s23 =	sshll.u32 s22, $0x4;
	s13 =	smul.u32 $0x220, s16;
	[dreg:$0xb] =	wrdreg s14  }
0x15: {  	s14 =	smul.u32 $0x880, s21;
	s15 =	sshrl.u32 s20, $0x2;
	s11 =	sadd.s32 $0xC00, s11  }
0x16: {  	s21 =	smax.u32 s0, $0x1;
	s18 =	sadd.s32 $0x8F00, s15;
	s0 =	simm.s32 $0x9400  }
0x17: {  	[dreg:$0x8] =	wrdreg s11;
	s17 =	sadd.s32 s12, s5;
	s16 =	sadd.s32 s12, s6  }
0x18: {  	s5 =	sadd.s32 s13, s5;
	s11 =	sadd.s32 s26, s6;
	[dreg:$0x9] =	wrdreg s17  }
0x19: {  	s6 =	sadd.s32 s13, s6;
	s24 =	sshrl.u32 s14, $0x2;
	[dreg:$0xa] =	wrdreg s16  }
0x1a: {  	s26 =	sadd.s32 s12, s8;
	s13 =	sshrl.u32 s25, $0x3;
	[dreg:$0xd] =	wrdreg s5  }
0x1b: {  	s14 =	smul.u32 $0x7E, s9;
	s25 =	sadd.s32 $0x8600, s15;
	[dreg:$0xe] =	wrdreg s11  }
0x1c: {  	[dreg:$0xf] =	wrdreg s6;
	s11 =	smul.u32 $0x880, s22;
	s6 =	sadd.s32 s23, s7  }
0x1d: {  	[dreg:$0x11] =	wrdreg s26;
	s16 =	sshll.u32 s10, $0x3;
	s17 =	smul.u32 $0x60, s10  }
0x1e: {  	s23 =	sshll.u32 s9, $0xA;
	[dreg:$0x10] =	wrdreg s6;
	s6 =	sadd.s32 $0x8F00, s24  }
0x1f: {  	s22 =	smul.u32 $0x22, s10;
	s7 =	simm.s32 $0x10580;
	[dreg:$0x12] =	wrdreg s6  }
0x20: {  	s12 =	sshrl.u32 s11, $0x2;
	s6 =	sadd.s32 s1, s13;
	s1 =	sadd.s32 s1, s14  }
0x21: {  	v5 =	vimm.f32 $-1.000000000e+00;
	s26 =	sor.u32 $0x200, s23;
	s5 =	sadd.s32 s12, s8;
	[dreg:$0x14] =	wrdreg s1  }
0x22: {  	v6 =	vlaneseq.u32;
	v7 =	vimm.f32 $0.0e+00;
	v3 =	vmov s26;
	s26 =	simm.s32 $0x70;
	[dreg:$0x13] =	wrdreg s5;
	s5 =	sor.u32 $0x60, s16  }
0x23: {  	v8 =	vimm.s32 $0x0;
	v9 =	vmul.u32 $0xFFFFFFFF, v6;
	v2 =	vmov s23;
	s20 =	sadd.s32 $0x3C, s6;
	s1 =	simm.s32 $0x8600;
	s24 =	sadd.s32 s17, s5  }
0x24: {  	v0 =	vmov s17;
	s6 =	simm.s32 $0x1;
	s8 =	simm.s32 $0x0;
	v4 =	vmov s5;
	s5 =	simm.s32 $0xCD80;
	v1 =	vmov s24  }
.LBB2_1:
0x25: {  	s9 =	rddreg [dreg:$0x7];
	s10 =	simm.s32 $0x8000  }
0x26: {  	[tilespmem:s10], [sflag:$0x2] =	stream.linear.gather [hbm4b:s9+s2], $0x10, $0x38;
	[tilespmem:$0x10E70] =	vst v63  }
0x27: {  	_ =	swait.ge [sflag:s28], $0x10  }
0x28: {  	[sflag:s28] =	ssyncset.done $0x0  }
0x29: {  	s16 =	rddreg [dreg:$0x8];
	[sflag:s28] =	ssyncadd.s32 $0xFFFFFFF0  }
0x2a: {  	[tilespmem:s2], [sflag:$0x2] =	stream.linear.gather [hbm4b:s16+s2], $0x8000, $0x38;
	[tilespmem:$0x10E70] =	vst v63  }
0x2b: {  	_ =	swait.ge [sflag:s28], $0x8000  }
0x2c: {  	[sflag:s28] =	ssyncset.done $0x0  }
0x2d: {  	[sflag:s28] =	ssyncadd.s32 $0xFFFF8000  }
0x2e: {  	[tilespmem:$0x8080] =	vst v5  }
0x2f: {  	[tilespmem:$0x8090] =	vst v5  }
0x30: {  	[tilespmem:$0x80A0] =	vst v5  }
0x31: {  	[tilespmem:$0x80B0] =	vst v5  }
0x32: {  	[tilespmem:$0x80C0] =	vst v5  }
0x33: {  	[tilespmem:$0x80D0] =	vst v5  }
0x34: {  	[tilespmem:$0x80E0] =	vst v5  }
0x35: {  	[tilespmem:$0x80F0] =	vst v5  }
0x36: {  	[tilespmem:$0x8100] =	vst v5  }
0x37: {  	[tilespmem:$0x8110] =	vst v5  }
0x38: {  	[tilespmem:$0x8120] =	vst v5  }
0x39: {  	[tilespmem:$0x8130] =	vst v5  }
0x3a: {  	[tilespmem:$0x8140] =	vst v5  }
0x3b: {  	[tilespmem:$0x8150] =	vst v5  }
0x3c: {  	[tilespmem:$0x8160] =	vst v5  }
0x3d: {  	[tilespmem:$0x8170] =	vst v5  }
0x3e: {  	[tilespmem:$0x8180] =	vst v5  }
0x3f: {  	[tilespmem:$0x8190] =	vst v5  }
0x40: {  	[tilespmem:$0x81A0] =	vst v5  }
0x41: {  	[tilespmem:$0x81B0] =	vst v5  }
0x42: {  	[tilespmem:$0x81C0] =	vst v5  }
0x43: {  	[tilespmem:$0x81D0] =	vst v5  }
0x44: {  	[tilespmem:$0x81E0] =	vst v5  }
0x45: {  	[tilespmem:$0x81F0] =	vst v5  }
0x46: {  	[tilespmem:$0x8200] =	vst v5  }
0x47: {  	[tilespmem:$0x8210] =	vst v5  }
0x48: {  	[tilespmem:$0x8220] =	vst v5  }
0x49: {  	[tilespmem:$0x8230] =	vst v5  }
0x4a: {  	[tilespmem:$0x8240] =	vst v5  }
0x4b: {  	[tilespmem:$0x8250] =	vst v5  }
0x4c: {  	[tilespmem:$0x8260] =	vst v5  }
0x4d: {  	[tilespmem:$0x8270] =	vst v5  }
0x4e: {  	[tilespmem:$0x8280] =	vst v5  }
0x4f: {  	s17 =	simm.s32 $0x0;
	v10 =	vld [tilespmem:$0x8000];
	[tilespmem:$0x8290] =	vst v5  }
0x50: {  	v11 =	vld [tilespmem:s17+$0x0];
	_ =	sdelay $0x4  }
0x51: {  	vm0 =	vge.f32 v11, v10  }
0x52: {  	v12 =	vsel vm0, $0x3F800000, v7  }
0x53: {  	(xrf0) =	vmax.scan.msk.f32 $0xffff, v12;
	_ =	sdelay $0x5  }
0x54: {  	v12, _, _ =	vpop (xrf0)  }
0x55: {  	(v2sf) =	vpush v12, $0xF;
	_ =	sdelay $0xe  }
0x56: {  	s23 =	spop (v2sf)  }
0x57: {  	p2 =	sgt.f32 s23, $0.0e+00;
	_ =	sdelay $0x1  }
0x58: {  	vm0 =	vge.f32 @p2 v11, v10;
	v12 =	vimm.s32 @p2 $0x0  }
0x59: {  	v12 =	vsel @p2 vm0, $0x1, v12  }
0x5a: {  	(xrf0) =	vadd.scan.msk.s32 @p2 $0xffff, v12;
	_ =	sdelay $0x2  }
0x5b: {  	v12 =	vmov @p2 s2  }
0x5c: {  	v12 =	vadd.s32 @p2 $0xFFFFFFFF, v12  }
0x5d: {  	v12 =	vbroadcast @p2 v12, $0x0  }
0x5e: {  	v13, _, _ =	vpop @p2 (xrf0)  }
0x5f: {  	v12 =	vadd.s32 @p2 v13, v12;
	(v2sf) =	vpush @p2 v13, $0xF  }
0x60: {  	vm1 =	vlt.s32 @p2 v12, $0x220  }
0x61: {  	vm0 =	vmand @p2 vm0, vm1;
	_ =	sdelay $0x4  }
0x62: {  	s9 =	simm.s32 @p2 $0x8080;
	v13 =	vlaneseq.u32 @p2  }
0x63: {  	v13 =	vor.u32 @p2 s3, v13;
	[tilespmem:v12+s9+$0x0] =	vst.idx.msk @p2 vm0, v11;
	s9 =	simm.s32 @p2 $0x8300  }
0x64: {  	s24 =	simm.s32 $0x10;
	[tilespmem:v12+s9+$0x0] =	vst.idx.msk @p2 vm0, v13  }
0x65: {  	v11 =	vld [tilespmem:s24+$0x0];
	_ =	sdelay $0x4  }
0x66: {  	s11 =	simm.s32 $0x80;
	vm15 =	vge.f32 v11, v10;
	s9 =	spop @p2 (v2sf)  }
0x67: {  	s10 =	smov.u32 s3;
	v12 =	vsel vm15, $0x3F800000, v7;
	s12 =	sadd.s32 @p2 $0x0, s9;
	s9 =	simm.s32 $0x0  }
.LBB2_2:
0x68: {  	s9 =	smov.u32 @p2 s12  }
0x69: {  	(xrf0) =	vmax.scan.msk.f32 $0xffff, v12;
	s10 =	sadd.s32 $0x10, s10;
	s12 =	smov.u32 s11;
	s11 =	sadd.s32 $0x40, s11  }
0x6a: {  	p3 =	sne.s32 s11, $0x20000;
	_ =	sdelay $0x4  }
0x6b: {  	v12, _, _ =	vpop (xrf0)  }
0x6c: {  	(v2sf) =	vpush v12, $0xF;
	_ =	sdelay $0xe  }
0x6d: {  	s13 =	spop (v2sf)  }
0x6e: {  	p2 =	sgt.f32 s13, $0.0e+00;
	_ =	sdelay $0x1  }
0x6f: {  	vm0 =	vge.f32 @p2 v11, v10;
	v12 =	vimm.s32 @p2 $0x0;
	v13 =	vmov @p2 s9  }
0x70: {  	v14 =	vlaneseq.u32 @p2;
	v12 =	vsel @p2 vm0, $0x1, v12;
	v13 =	vadd.s32 @p2 $0xFFFFFFFF, v13  }
0x71: {  	v14 =	vor.u32 @p2 s10, v14;
	v13 =	vbroadcast @p2 v13, $0x0;
	(xrf0) =	vadd.scan.msk.s32 @p2 $0xffff, v12;
	_ =	sdelay $0x5  }
0x72: {  	v12, _, _ =	vpop @p2 (xrf0)  }
0x73: {  	v13 =	vadd.s32 @p2 v12, v13;
	(v2sf) =	vpush @p2 v12, $0xF  }
0x74: {  	vm1 =	vlt.s32 @p2 v13, $0x220  }
0x75: {  	vm0 =	vmand @p2 vm0, vm1;
	_ =	sdelay $0x4  }
0x76: {  	s13 =	simm.s32 @p2 $0x8080  }
0x77: {  	[tilespmem:v13+s13+$0x0] =	vst.idx.msk @p2 vm0, v11;
	s13 =	simm.s32 @p2 $0x8300  }
0x78: {  	s12 =	sshra.s32 s12, $0x2;
	[tilespmem:v13+s13+$0x0] =	vst.idx.msk @p2 vm0, v14  }
0x79: {  	v11 =	vld [tilespmem:s12+$0x0];
	_ =	sdelay $0x1  }
.Ltmp0:
0x7a: {  	(pc) =	sbr.rel @p3 .LBB2_2-.Ltmp0, $3  }
0x7b: {  	_ =	sdelay $0x1  }
0x7c: {  	vm0 =	vge.f32 v11, v10;
	s12 =	spop @p2 (v2sf)  }
0x7d: {  	v12 =	vsel vm0, $0x3F800000, v7;
	s12 =	sadd.s32 @p2 s9, s12  }
0x7e: {  	(xrf0) =	vmax.scan.msk.f32 $0xffff, v12;
	_ =	sdelay $0x5  }
0x7f: {  	v12, _, _ =	vpop (xrf0)  }
0x80: {  	(v2sf) =	vpush v12, $0xF;
	_ =	sdelay $0xe  }
0x81: {  	s11 =	spop (v2sf)  }
0x82: {  	p3 =	sgt.f32 s11, $0.0e+00;
	_ =	sdelay $0x1  }
0x83: {  	vm0 =	vge.f32 @p3 v11, v10;
	v10 =	vimm.s32 @p3 $0x0  }
0x84: {  	v10 =	vsel @p3 vm0, $0x1, v10  }
0x85: {  	(xrf0) =	vadd.scan.msk.s32 @p3 $0xffff, v10;
	_ =	sdelay $0x5  }
0x86: {  	v10, _, _ =	vpop @p3 (xrf0)  }
0x87: {  	(v2sf) =	vpush @p3 v10, $0xF;
	_ =	sdelay $0x5  }
0x88: {  	s9 =	smov.u32 @p2 s12  }
0x89: {  	v12 =	vmov @p3 s9  }
0x8a: {  	v12 =	vadd.s32 @p3 $0xFFFFFFFF, v12  }
0x8b: {  	v12 =	vbroadcast @p3 v12, $0x0;
	_ =	sdelay $0x1  }
0x8c: {  	v10 =	vadd.s32 @p3 v10, v12  }
0x8d: {  	vm1 =	vlt.s32 @p3 v10, $0x220  }
0x8e: {  	vm0 =	vmand @p3 vm0, vm1;
	_ =	sdelay $0x1  }
0x8f: {  	s11 =	spop @p3 (v2sf)  }
0x90: {  	s11 =	sadd.s32 @p3 s9, s11  }
0x91: {  	s9 =	smov.u32 @p3 s11  }
0x92: {  	s10 =	sadd.s32 $0x10, s10;
	v12 =	vlaneseq.u32 @p3;
	s11 =	simm.s32 @p3 $0x8080;
	p2 =	slt.s32 s9, $0x220  }
0x93: {  	v12 =	vor.u32 @p3 s10, v12;
	s10 =	simm.s32 @p3 $0x8300;
	[tilespmem:v10+s11+$0x0] =	vst.idx.msk @p3 vm0, v11;
	s9 =	simm.s32 @!p2 $0x220  }
0x94: {  	[tilespmem:v10+s10+$0x0] =	vst.idx.msk @p3 vm0, v12;
	v10 =	vmov s9  }
0x95: {  	s13 =	rddreg [dreg:$0x9];
	s14 =	simm.s32 $0x8080;
	[tilespmem:$0x8580] =	vst v10  }
0x96: {  	[spmem:s13] =	stream.linear.scatter [tilespmem:s14], [sflag:$0x2], $0x220, $0x38;
	[tilespmem:$0x10E70] =	vst v63  }
0x97: {  	_ =	swait.ge [sflag:s28], $0x220  }
0x98: {  	[sflag:s28] =	ssyncset.done $0x0  }
0x99: {  	s17 =	simm.s32 $0x8300;
	s16 =	rddreg [dreg:$0xa];
	[sflag:s28] =	ssyncadd.s32 $0xFFFFFDE0  }
0x9a: {  	[spmem:s16] =	stream.linear.scatter [tilespmem:s17], [sflag:$0x2], $0x220, $0x38;
	[tilespmem:$0x10E70] =	vst v63  }
0x9b: {  	_ =	swait.ge [sflag:s28], $0x220  }
0x9c: {  	[sflag:s28] =	ssyncset.done $0x0  }
0x9d: {  	s23 =	rddreg [dreg:$0xb];
	[sflag:s28] =	ssyncadd.s32 $0xFFFFFDE0  }
0x9e: {  	[spmem:s23] =	stream.linear.scatter [tilespmem:s31], [sflag:$0x2], $0x10, $0x38;
	[tilespmem:$0x10E70] =	vst v63  }
0x9f: {  	_ =	swait.ge [sflag:s28], $0x10  }
0xa0: {  	[sflag:s28] =	ssyncset.done $0x0  }
0xa1: {  	[sflag:s28] =	ssyncadd.s32 $0xFFFFFFF0  }
0xa2: {  	[bflag:$0x0] =	sbarrier.arrive $0xFFFF  }
0xa3: {  	s24 =	rddreg [dreg:$0xc]  }
0xa4: {  	[tilespmem:s1], [sflag:$0x2] =	stream.linear.gather [spmem:s24], $0x220, $0x38;
	[tilespmem:$0x10E70] =	vst v63  }
0xa5: {  	_ =	swait.ge [sflag:s28], $0x220  }
0xa6: {  	[sflag:s28] =	ssyncset.done $0x0  }
0xa7: {  	s12 =	simm.s32 $0x8820;
	s11 =	rddreg [dreg:$0xd];
	[sflag:s28] =	ssyncadd.s32 $0xFFFFFDE0  }
0xa8: {  	[tilespmem:s12], [sflag:$0x2] =	stream.linear.gather [spmem:s11], $0x220, $0x38;
	[tilespmem:$0x10E70] =	vst v63  }
0xa9: {  	_ =	swait.ge [sflag:s28], $0x220  }
0xaa: {  	[sflag:s28] =	ssyncset.done $0x0  }
0xab: {  	s14 =	simm.s32 $0x8A80;
	s13 =	rddreg [dreg:$0xe];
	[sflag:s28] =	ssyncadd.s32 $0xFFFFFDE0  }
0xac: {  	[tilespmem:s14], [sflag:$0x2] =	stream.linear.gather [spmem:s13], $0x220, $0x38;
	[tilespmem:$0x10E70] =	vst v63  }
0xad: {  	_ =	swait.ge [sflag:s28], $0x220  }
0xae: {  	[sflag:s28] =	ssyncset.done $0x0  }
0xaf: {  	s17 =	simm.s32 $0x8CA0;
	s16 =	rddreg [dreg:$0xf];
	[sflag:s28] =	ssyncadd.s32 $0xFFFFFDE0  }
0xb0: {  	[tilespmem:s17], [sflag:$0x2] =	stream.linear.gather [spmem:s16], $0x220, $0x38;
	[tilespmem:$0x10E70] =	vst v63  }
0xb1: {  	_ =	swait.ge [sflag:s28], $0x220  }
0xb2: {  	[sflag:s28] =	ssyncset.done $0x0  }
0xb3: {  	s23 =	rddreg [dreg:$0x10];
	[sflag:s28] =	ssyncadd.s32 $0xFFFFFDE0  }
0xb4: {  	[tilespmem:s31], [sflag:$0x2] =	stream.linear.gather [spmem:s23], $0x10, $0x38;
	[tilespmem:$0x10E70] =	vst v63  }
0xb5: {  	_ =	swait.ge [sflag:s28], $0x10  }
0xb6: {  	[sflag:s28] =	ssyncset.done $0x0  }
0xb7: {  	[sflag:s28] =	ssyncadd.s32 $0xFFFFFFF0  }
0xb8: {  	v10 =	vld [tilespmem:$0x8580];
	[tilespmem:s15+$0x8F00] =	vst v8  }
0xb9: {  	[tilespmem:s15+$0x8F10] =	vst v8  }
0xba: {  	[tilespmem:s15+$0x8F20] =	vst v8  }
0xbb: {  	[tilespmem:s15+$0x8F30] =	vst v8  }
0xbc: {  	[tilespmem:s15+$0x8F40] =	vst v8  }
0xbd: {  	[tilespmem:s15+$0x8F50] =	vst v8  }
0xbe: {  	[tilespmem:s15+$0x8F60] =	vst v8  }
0xbf: {  	[tilespmem:s15+$0x8F70] =	vst v8  }
0xc0: {  	[tilespmem:s15+$0x8F80] =	vst v8  }
0xc1: {  	[tilespmem:s15+$0x8F90] =	vst v8  }
0xc2: {  	[tilespmem:s15+$0x8FA0] =	vst v8;
	(v2sf) =	vpush v10, $0x0  }
0xc3: {  	[tilespmem:s15+$0x8FB0] =	vst v8  }
0xc4: {  	[tilespmem:s15+$0x8FC0] =	vst v8  }
0xc5: {  	[tilespmem:s15+$0x8FD0] =	vst v8  }
0xc6: {  	[tilespmem:s15+$0x8FE0] =	vst v8  }
0xc7: {  	[tilespmem:s15+$0x8FF0] =	vst v8  }
0xc8: {  	[tilespmem:s15+$0x9000] =	vst v8  }
0xc9: {  	[tilespmem:s15+$0x9010] =	vst v8  }
0xca: {  	[tilespmem:s15+$0x9020] =	vst v8  }
0xcb: {  	[tilespmem:s15+$0x9030] =	vst v8  }
0xcc: {  	[tilespmem:s15+$0x9040] =	vst v8  }
0xcd: {  	[tilespmem:s15+$0x9050] =	vst v8  }
0xce: {  	[tilespmem:s15+$0x9060] =	vst v8  }
0xcf: {  	[tilespmem:s15+$0x9070] =	vst v8  }
0xd0: {  	[tilespmem:s15+$0x9080] =	vst v8  }
0xd1: {  	[tilespmem:s15+$0x9090] =	vst v8;
	s13 =	spop (v2sf)  }
0xd2: {  	[tilespmem:s15+$0x90A0] =	vst v8;
	s10 =	smov.u32 s13  }
0xd3: {  	[tilespmem:s15+$0x90B0] =	vst v8;
	s10 =	smov.u32 @p0 s9  }
0xd4: {  	[tilespmem:s15+$0x90C0] =	vst v8;
	p2 =	sgt.s32 s10, $0x0  }
.Ltmp1:
0xd5: {  	[tilespmem:s15+$0x90D0] =	vst v8;
	(pc) =	sbr.rel @p2 .LBB2_12-.Ltmp1, $4  }
0xd6: {  	[tilespmem:s15+$0x90E0] =	vst v8  }
0xd7: {  	s24 =	sadd.s32 $0xF, s9;
	[tilespmem:s15+$0x90F0] =	vst v8  }
0xd8: {  	s11 =	sshra.s32 s24, $0x4;
	[tilespmem:s15+$0x9100] =	vst v8  }
0xd9: {  	s12 =	sadd.s32 s22, s11;
	s14 =	simm.s32 $0x0;
	[tilespmem:s15+$0x9110] =	vst v8  }
.LBB2_4:
0xda: {  	s9 =	smov.u32 @p0 s13  }
0xdb: {  	p2 =	sgt.s32 s9, $0x0  }
.Ltmp2:
0xdc: {  	_ = 	snop;
	(pc) =	sbr.rel @p2 .LBB2_5-.Ltmp2, $2  }
0xdd: {  	_ =	sdelay $0x2  }
0xde: {  	s13 =	simm.s32 $0x0  }
.LBB2_9:
0xdf: {  	s11 =	rddreg [dreg:$0x11]  }
0xe0: {  	[spmem:s11] =	stream.linear.scatter [tilespmem:s18], [sflag:$0x2], $0x220, $0x38;
	[tilespmem:$0x10E70] =	vst v63  }
0xe1: {  	_ =	swait.ge [sflag:s28], $0x220  }
0xe2: {  	[sflag:s28] =	ssyncset.done $0x0  }
0xe3: {  	s10 =	sadd.s32 $0xF, s10;
	[sflag:s28] =	ssyncadd.s32 $0xFFFFFDE0  }
0xe4: {  	s11 =	sshra.s32 s10, $0x4;
	[bflag:$0x0] =	sbarrier.arrive $0xFFFF  }
0xe5: {  	p2 =	slt.s32 s11, $0x1;
	s24 =	rddreg [dreg:$0x12]  }
.Ltmp3:
0xe6: {  	s12 =	rddreg [dreg:$0x13];
	(pc) =	sbr.rel @p2 .LBB2_20-.Ltmp3, $4  }
0xe7: {  	[tilespmem:s24], [sflag:$0x2] =	stream.linear.gather [spmem:s12], $0x220, $0x38;
	[tilespmem:$0x10E70] =	vst v63  }
0xe8: {  	_ =	swait.ge [sflag:s28], $0x220  }
0xe9: {  	[sflag:s28] =	ssyncset.done $0x0  }
0xea: {  	[sflag:s28] =	ssyncadd.s32 $0xFFFFFDE0  }
0xeb: {  	p3 =	sne.s32 s11, $0x1  }
.Ltmp4:
0xec: {  	_ = 	snop;
	(pc) =	sbr.rel @!p3 .LBB2_11-.Ltmp4, $4  }
0xed: {  	_ = 	snop  }
0xee: {  	s10 =	simm.s32 $0x8F00  }
0xef: {  	s12 =	simm.s32 $0x8600;
	v11 =	vld [tilespmem:s10+$0x0]  }
0xf0: {  	s11 =	sadd.s32 $0xFFFFFFFF, s11;
	p2 =	por $0x0, $0x0;
	s10 =	simm.s32 $0x8A80;
	v10 =	vld [tilespmem:s12+$0x0]  }
0xf1: {  	_ =	sdelay $0x3  }
0xf2: {  	vm1 =	vge.s32 v11, v0;
	vm0 =	vge.f32 v10, $0.0e+00  }
0xf3: {  	vm15 =	vlt.s32 v11, v1;
	vm0 =	vmand vm0, vm1  }
0xf4: {  	vm0 =	vmand vm15, vm0  }
0xf5: {  	v11 =	vsub.s32 v11, v0;
	_ =	sdelay $0x4  }
0xf6: {  	[tilespmem:v11+s30+$0x0] =	vst.idx.msk vm0, v10  }
0xf7: {  	v10 =	vld [tilespmem:s10+$0x0];
	_ =	sdelay $0x1  }
0xf8: {  	p3 =	sne.s32 s11, $0x1  }
.Ltmp5:
0xf9: {  	_ = 	snop;
	(pc) =	sbr.rel @!p3 .LBB2_17-.Ltmp5, $4  }
0xfa: {  	_ = 	snop  }
0xfb: {  	s12 =	simm.s32 $0x8F10;
	[tilespmem:v11+s0+$0x0] =	vst.idx.msk vm0, v10  }
0xfc: {  	s13 =	simm.s32 $0x8610;
	v11 =	vld [tilespmem:s12+$0x0]  }
0xfd: {  	s14 =	sadd.s32 $0xFFFFFFFF, s11;
	p2 =	por $0x1, $0x1;
	s11 =	simm.s32 $0x8A80;
	v10 =	vld [tilespmem:s13+$0x0]  }
.LBB2_18:
0xfe: {  	p3 =	sne.s32 s14, $0x1;
	_ =	sdelay $0x3  }
0xff: {  	vm1 =	vge.s32 v11, v0;
	vm0 =	vge.f32 v10, $0.0e+00  }
0x100: {  	vm0 =	vmand vm0, vm1;
	vm1 =	vlt.s32 v11, v1  }
0x101: {  	vm0 =	vmand vm1, vm0  }
0x102: {  	v11 =	vsub.s32 v11, v0;
	_ =	sdelay $0x4  }
0x103: {  	s11 =	sadd.s32 $0x10, s11;
	[tilespmem:v11+s30+$0x0] =	vst.idx.msk vm0, v10  }
0x104: {  	v10 =	vld [tilespmem:s11+$0x0];
	_ =	sdelay $0x2  }
.Ltmp6:
0x105: {  	(pc) =	sbr.rel @p3 .LBB2_18-.Ltmp6, $4  }
0x106: {  	_ = 	snop  }
0x107: {  	s12 =	sadd.s32 $0x10, s12;
	[tilespmem:v11+s0+$0x0] =	vst.idx.msk vm0, v10  }
0x108: {  	s13 =	sadd.s32 $0x10, s13;
	v11 =	vld [tilespmem:s12+$0x0]  }
0x109: {  	s14 =	sadd.s32 $0xFFFFFFFF, s14;
	v10 =	vld [tilespmem:s13+$0x0]  }
.LBB2_19:
0x10a: {  	_ =	sdelay $0x3  }
0x10b: {  	vm1 =	vge.s32 v11, v0;
	vm0 =	vge.f32 v10, $0.0e+00  }
0x10c: {  	vm15 =	vlt.s32 v11, v1;
	vm0 =	vmand vm0, vm1  }
0x10d: {  	vm0 =	vmand vm15, vm0  }
0x10e: {  	v11 =	vsub.s32 v11, v0;
	_ =	sdelay $0x3  }
0x10f: {  	s11 =	sadd.s32 @p2 $0x10, s11  }
0x110: {  	s10 =	smov.u32 @p2 s11;
	[tilespmem:v11+s30+$0x0] =	vst.idx.msk vm0, v10  }
0x111: {  	v10 =	vld [tilespmem:s10+$0x0];
	_ =	sdelay $0x4  }
0x112: {  	[tilespmem:v11+s0+$0x0] =	vst.idx.msk vm0, v10  }
.LBB2_20:
0x113: {  	s9 =	sadd.s32 $0xF, s9  }
0x114: {  	s10 =	sshra.s32 s9, $0x4  }
0x115: {  	p2 =	sgt.s32 s10, $0x0  }
.Ltmp7:
0x116: {  	_ = 	snop;
	(pc) =	sbr.rel @!p2 .LBB2_27-.Ltmp7, $1  }
0x117: {  	_ =	sdelay $0x3  }
0x118: {  	p3 =	seq.s32 s10, $0x1  }
.Ltmp8:
0x119: {  	_ = 	snop;
	(pc) =	sbr.rel @p3 .LBB2_22-.Ltmp8, $4  }
0x11a: {  	_ = 	snop  }
0x11b: {  	s12 =	simm.s32 $0x9120  }
0x11c: {  	s11 =	simm.s32 $0x8820;
	v11 =	vld [tilespmem:s12+$0x0]  }
0x11d: {  	s9 =	simm.s32 $0x8CA0;
	s10 =	sadd.s32 $0xFFFFFFFF, s10;
	p2 =	por $0x0, $0x0;
	v10 =	vld [tilespmem:s11+$0x0]  }
0x11e: {  	_ =	sdelay $0x3  }
0x11f: {  	vm1 =	vge.s32 v11, v0;
	vm0 =	vge.f32 v10, $0.0e+00  }
0x120: {  	vm15 =	vlt.s32 v11, v1;
	vm0 =	vmand vm0, vm1  }
0x121: {  	vm0 =	vmand vm15, vm0  }
0x122: {  	v11 =	vsub.s32 v11, v0;
	_ =	sdelay $0x4  }
0x123: {  	[tilespmem:v11+s30+$0x0] =	vst.idx.msk vm0, v10  }
0x124: {  	v10 =	vld [tilespmem:s9+$0x0];
	_ =	sdelay $0x1  }
0x125: {  	p3 =	seq.s32 s10, $0x1  }
.Ltmp9:
0x126: {  	_ = 	snop;
	(pc) =	sbr.rel @p3 .LBB2_24-.Ltmp9, $4  }
0x127: {  	_ = 	snop  }
0x128: {  	s11 =	simm.s32 $0x9130;
	[tilespmem:v11+s0+$0x0] =	vst.idx.msk vm0, v10  }
0x129: {  	s12 =	simm.s32 $0x8830;
	v11 =	vld [tilespmem:s11+$0x0]  }
0x12a: {  	s13 =	sadd.s32 $0xFFFFFFFF, s10;
	p2 =	por $0x1, $0x1;
	s10 =	simm.s32 $0x8CA0;
	v10 =	vld [tilespmem:s12+$0x0]  }
.LBB2_25:
0x12b: {  	p3 =	seq.s32 s13, $0x1;
	_ =	sdelay $0x3  }
0x12c: {  	vm1 =	vge.s32 v11, v0;
	vm0 =	vge.f32 v10, $0.0e+00  }
0x12d: {  	vm0 =	vmand vm0, vm1;
	vm1 =	vlt.s32 v11, v1  }
0x12e: {  	vm0 =	vmand vm1, vm0  }
0x12f: {  	v11 =	vsub.s32 v11, v0;
	_ =	sdelay $0x4  }
0x130: {  	s10 =	sadd.s32 $0x10, s10;
	[tilespmem:v11+s30+$0x0] =	vst.idx.msk vm0, v10  }
0x131: {  	v10 =	vld [tilespmem:s10+$0x0];
	_ =	sdelay $0x2  }
.Ltmp10:
0x132: {  	(pc) =	sbr.rel @!p3 .LBB2_25-.Ltmp10, $4  }
0x133: {  	_ = 	snop  }
0x134: {  	s11 =	sadd.s32 $0x10, s11;
	[tilespmem:v11+s0+$0x0] =	vst.idx.msk vm0, v10  }
0x135: {  	s12 =	sadd.s32 $0x10, s12;
	v11 =	vld [tilespmem:s11+$0x0]  }
0x136: {  	s13 =	sadd.s32 $0xFFFFFFFF, s13;
	v10 =	vld [tilespmem:s12+$0x0]  }
.LBB2_26:
0x137: {  	_ =	sdelay $0x3  }
0x138: {  	vm1 =	vge.s32 v11, v0;
	vm0 =	vge.f32 v10, $0.0e+00  }
0x139: {  	vm15 =	vlt.s32 v11, v1;
	vm0 =	vmand vm0, vm1  }
0x13a: {  	vm0 =	vmand vm15, vm0  }
0x13b: {  	v11 =	vsub.s32 v11, v0;
	_ =	sdelay $0x3  }
0x13c: {  	s10 =	sadd.s32 @p2 $0x10, s10  }
0x13d: {  	s9 =	smov.u32 @p2 s10;
	[tilespmem:v11+s30+$0x0] =	vst.idx.msk vm0, v10  }
0x13e: {  	v10 =	vld [tilespmem:s9+$0x0];
	_ =	sdelay $0x4  }
0x13f: {  	[tilespmem:v11+s0+$0x0] =	vst.idx.msk vm0, v10  }
.LBB2_27:
0x140: {  	v10 =	vld [tilespmem:$0x9400];
	_ =	sdelay $0x1  }
0x141: {  	v11 =	vld [tilespmem:$0x9410];
	_ =	sdelay $0x1  }
0x142: {  	v12 =	vld [tilespmem:$0x9420]  }
0x143: {  	v10 =	vshrl.u32 v10, $0x7  }
0x144: {  	v13 =	vld [tilespmem:$0x9430];
	v10 =	vand.u32 $0x1FF, v10  }
0x145: {  	v11 =	vshrl.u32 v11, $0x7;
	v14 =	vor.u32 v2, v10  }
0x146: {  	v57 =	vld [tilespmem:$0x9440];
	v11 =	vand.u32 $0x1FF, v11;
	v10 =	vor.u32 v3, v10;
	[tilespmem:$0x9480] =	vst v14  }
0x147: {  	v12 =	vshrl.u32 v12, $0x7;
	[tilespmem:$0x9500] =	vst v10;
	v10 =	vor.u32 v2, v11  }
0x148: {  	v58 =	vld [tilespmem:$0x9450];
	[tilespmem:$0x9490] =	vst v10;
	v10 =	vor.u32 v3, v11;
	v11 =	vand.u32 $0x1FF, v12  }
0x149: {  	v13 =	vshrl.u32 v13, $0x7;
	[tilespmem:$0x9510] =	vst v10;
	v10 =	vor.u32 v2, v11  }
0x14a: {  	v59 =	vld [tilespmem:$0x9460];
	[tilespmem:$0x94A0] =	vst v10;
	v10 =	vor.u32 v3, v11;
	v11 =	vand.u32 $0x1FF, v13  }
0x14b: {  	v14 =	vshrl.u32 v57, $0x7;
	[tilespmem:$0x9520] =	vst v10;
	v10 =	vor.u32 v2, v11  }
0x14c: {  	[tilespmem:$0x94B0] =	vst v10;
	v10 =	vor.u32 v3, v11;
	v11 =	vand.u32 $0x1FF, v14  }
0x14d: {  	v12 =	vshrl.u32 v58, $0x7;
	[tilespmem:$0x9530] =	vst v10;
	v10 =	vor.u32 v2, v11  }
0x14e: {  	[tilespmem:$0x94C0] =	vst v10;
	v10 =	vor.u32 v3, v11;
	v11 =	vand.u32 $0x1FF, v12  }
0x14f: {  	v60 =	vshrl.u32 v59, $0x7;
	[tilespmem:$0x9540] =	vst v10;
	v10 =	vor.u32 v2, v11  }
0x150: {  	[tilespmem:$0x94D0] =	vst v10;
	v10 =	vor.u32 v3, v11;
	v11 =	vand.u32 $0x1FF, v60  }
0x151: {  	[tilespmem:$0x9550] =	vst v10;
	v10 =	vor.u32 v2, v11  }
0x152: {  	[tilespmem:$0x94E0] =	vst v10;
	v10 =	vor.u32 v3, v11  }
0x153: {  	s9 =	simm.s32 $0x9480;
	[tilespmem:$0x9560] =	vst v10  }
0x154: {  	[tilespmem:s29], [sflag:$0x1] =	stream.indirect.gather [hbm4b:s4+s26], $0x80, s9, s26, $0xb8;
	[tilespmem:$0x10E70] =	vst v63  }
0x155: {  	s24 =	simm.s32 $0x9500  }
0x156: {  	[tilespmem:s5], [sflag:$0x1] =	stream.indirect.gather [hbm4b:s4+s26], $0x80, s24, s26, $0xb8;
	[tilespmem:$0x10E70] =	vst v63  }
0x157: {  	_ =	swait.ge [sflag:s6], $0x3800  }
0x158: {  	[sflag:s6] =	ssyncset.done $0x0  }
0x159: {  	[sflag:s6] =	ssyncadd.s32 $0xFFFFC800  }
0x15a: {  	_ =	swait.ge [sflag:s6], $0x3800  }
0x15b: {  	[sflag:s6] =	ssyncset.done $0x0  }
0x15c: {  	s9 =	simm.s32 $0x9400;
	[sflag:s6] =	ssyncadd.s32 $0xFFFFC800  }
0x15d: {  	v10 =	vld [tilespmem:s9+$0x0];
	_ =	sdelay $0x2  }
0x15e: {  	s11 =	simm.s32 $0x0  }
0x15f: {  	v11 =	vor.u32 s11, v6  }
0x160: {  	v62 =	vshll.u32 v11, $0x7;
	v61 =	vand.u32 $0x7F, v10  }
0x161: {  	v12 =	vor.u32 v62, v61;
	_ =	sdelay $0x4  }
0x162: {  	v13 =	vld.idx.msk [tilespmem:v12+s29+$0x0], $0xffff  }
0x163: {  	v12 =	vld.idx.msk [tilespmem:v12+s5+$0x0], $0xffff  }
0x164: {  	vm0 =	vlt.u32 v11, v4;
	v63 =	vand.u32 $0xFF, v10;
	v10 =	vshrl.u32 v10, $0x8  }
0x165: {  	v11 =	vmul.u32 $0x5, v11;
	v14 =	vcvt.s32.f32 v63;
	v10 =	vand.u32 $0xFF, v10  }
0x166: {  	v10 =	vcvt.s32.f32 v10  }
0x167: {  	v15 =	vadd.s32 $0x1, v11;
	v14 =	vmul.f32 $3.906250000e-03, v14;
	v13 =	vmul.f32 $5.000000000e-01, v13  }
0x168: {  	v16 =	vadd.s32 $0x2, v11;
	v10 =	vmul.f32 $3.906250000e-03, v10;
	v12 =	vmul.f32 $5.000000000e-01, v12  }
0x169: {  	v18 =	vadd.s32 $0x3, v11;
	v17 =	vsub.f32 v14, v13  }
0x16a: {  	v19 =	vsub.f32 v10, v12  }
0x16b: {  	v13 =	vadd.f32 v14, v13;
	[tilespmem:v11+s7+$0x0] =	vst.idx.msk vm0, v17  }
0x16c: {  	v10 =	vadd.f32 v10, v12;
	[tilespmem:v15+s7+$0x0] =	vst.idx.msk vm0, v19  }
0x16d: {  	[tilespmem:v16+s7+$0x0] =	vst.idx.msk vm0, v13  }
0x16e: {  	s10 =	simm.s32 $0x9380;
	[tilespmem:v18+s7+$0x0] =	vst.idx.msk vm0, v10  }
0x16f: {  	s11 =	simm.s32 $0x10;
	v10 =	vadd.s32 $0x4, v11;
	v11 =	vld [tilespmem:s10+$0x0]  }
.LBB2_28:
0x170: {  	_ =	sdelay $0x3  }
0x171: {  	p2 =	sne.s32 s11, $0x60;
	s9 =	sadd.s32 $0x10, s9;
	s10 =	sadd.s32 $0x10, s10;
	[tilespmem:v10+s7+$0x0] =	vst.idx.msk vm0, v11  }
0x172: {  	s12 =	smov.u32 s11;
	s11 =	sadd.s32 $0x10, s11;
	v10 =	vld [tilespmem:s9+$0x0];
	_ =	sdelay $0x3  }
0x173: {  	v11 =	vor.u32 s12, v6  }
0x174: {  	v13 =	vshll.u32 v11, $0x7;
	v12 =	vand.u32 $0x7F, v10;
	v14 =	vand.u32 $0xFF, v10  }
0x175: {  	v10 =	vshrl.u32 v10, $0x8;
	v12 =	vor.u32 v13, v12;
	v13 =	vcvt.s32.f32 v14  }
0x176: {  	v10 =	vand.u32 $0xFF, v10  }
0x177: {  	v10 =	vcvt.s32.f32 v10;
	_ =	sdelay $0x2  }
0x178: {  	v14 =	vld.idx.msk [tilespmem:v12+s29+$0x0], $0xffff  }
0x179: {  	v12 =	vld.idx.msk [tilespmem:v12+s5+$0x0], $0xffff;
	_ =	sdelay $0x2  }
0x17a: {  	vm0 =	vlt.u32 v11, v4;
	v11 =	vmul.u32 $0x5, v11;
	_ =	sdelay $0x1  }
0x17b: {  	v15 =	vadd.s32 $0x1, v11;
	v13 =	vmul.f32 $3.906250000e-03, v13;
	v14 =	vmul.f32 $5.000000000e-01, v14  }
0x17c: {  	v16 =	vadd.s32 $0x2, v11;
	v10 =	vmul.f32 $3.906250000e-03, v10;
	v12 =	vmul.f32 $5.000000000e-01, v12  }
0x17d: {  	v18 =	vadd.s32 $0x3, v11;
	v17 =	vsub.f32 v13, v14  }
0x17e: {  	v19 =	vsub.f32 v10, v12  }
.Ltmp11:
0x17f: {  	v13 =	vadd.f32 v13, v14;
	[tilespmem:v11+s7+$0x0] =	vst.idx.msk vm0, v17;
	(pc) =	sbr.rel @p2 .LBB2_28-.Ltmp11, $4  }
0x180: {  	v10 =	vadd.f32 v10, v12;
	[tilespmem:v15+s7+$0x0] =	vst.idx.msk vm0, v19  }
0x181: {  	[tilespmem:v16+s7+$0x0] =	vst.idx.msk vm0, v13  }
0x182: {  	[tilespmem:v18+s7+$0x0] =	vst.idx.msk vm0, v10  }
0x183: {  	v10 =	vadd.s32 $0x4, v11;
	v11 =	vld [tilespmem:s10+$0x0]  }
0x184: {  	_ =	sdelay $0x4  }
0x185: {  	s9 =	simm.s32 @p1 $0x0;
	s10 =	simm.s32 @p1 $0x10580;
	[tilespmem:v10+s7+$0x0] =	vst.idx.msk vm0, v11  }
0x186: {  	[hbm4b:s20+s9] =	stream.linear.scatter @p1 [tilespmem:s10], [sflag:$0x2], $0x210, $0x38;
	[tilespmem:$0x10E70] =	vst v63  }
0x187: {  	s9 =	simm.s32 @p1 $0x2  }
0x188: {  	s8 =	sadd.s32 $0x1, s8;
	_ =	swait.ge @p1 [sflag:s9], $0x210  }
0x189: {  	p2 =	sne.s32 s8, s21;
	s10 =	simm.s32 @!p1 $0x10580;
	[sflag:s9] =	ssyncset.done @p1 $0x0  }
0x18a: {  	s11 =	rddreg [dreg:$0x14];
	[sflag:s9] =	ssyncadd.s32 @p1 $0xFFFFFDF0;
	s9 =	simm.s32 @!p1 $0x0  }
0x18b: {  	[hbm4b:s11+s9] =	stream.linear.scatter @!p1 [tilespmem:s10], [sflag:$0x2], $0x1E0, $0x38;
	[tilespmem:$0x10E70] =	vst v63  }
.Ltmp12:
0x18c: {  	_ = 	snop;
	(pc) =	sbr.rel @p2 .LBB2_1-.Ltmp12, $4  }
.Ltmp13:
0x18d: {  	s9 =	simm.s32 @!p1 $0x2;
	(pc) =	sbr.rel @!p2 .LBB2_30-.Ltmp13, $4  }
0x18e: {  	_ =	swait.ge @!p1 [sflag:s9], $0x1E0  }
0x18f: {  	[sflag:s9] =	ssyncset.done @!p1 $0x0  }
0x190: {  	[sflag:s9] =	ssyncadd.s32 @!p1 $0xFFFFFE20  }
0x191: {  	_ = 	snop  }
.LBB2_15:
0x192: {  	s14 =	sadd.s32 $0x1, s14  }
0x193: {  	p2 =	seq.s32 s14, s10  }
.Ltmp14:
0x194: {  	_ = 	snop;
	(pc) =	sbr.rel @p2 .LBB2_4-.Ltmp14, $1  }
0x195: {  	_ =	sdelay $0x3  }
.LBB2_12:
0x196: {  	p2 =	slt.s32 s11, $0x1  }
.Ltmp15:
0x197: {  	_ = 	snop;
	(pc) =	sbr.rel @p2 .LBB2_15-.Ltmp15, $1  }
0x198: {  	_ =	sdelay $0x3  }
0x199: {  	v11 =	vmov s14;
	_ =	sdelay $0x3  }
0x19a: {  	v12 =	vld [tilespmem:s25+$0x0]  }
0x19b: {  	v10 =	vld.idx.msk [tilespmem:v11+s1+$0x0], $0xffff;
	_ =	sdelay $0x3  }
0x19c: {  	v13 =	vmov s19;
	v14 =	vld [tilespmem:s18+$0x0];
	s16 =	sadd.s32 $0x1, s22;
	v11 =	vadd.s32 v9, v11  }
0x19d: {  	p2 =	slt.s32 s16, s12;
	vm1 =	vgt.s32 v13, v11;
	vm0 =	veq.f32 v10, v12  }
.Ltmp16:
0x19e: {  	vm2 =	vgt.f32 v10, v12;
	vm0 =	vmand vm1, vm0;
	(pc) =	sbr.rel @!p2 .LBB2_15-.Ltmp16, $4  }
0x19f: {  	vm0 =	vmor vm2, vm0  }
0x1a0: {  	v63 =	vsel vm0, $0x1, v8  }
0x1a1: {  	v12 =	vadd.s32 v63, v14  }
0x1a2: {  	s17 =	sadd.s32 $0x10, s25;
	s24 =	smov.u32 s18;
	s23 =	smov.u32 s19;
	[tilespmem:s18+$0x0] =	vst v12  }
.LBB2_14:
0x1a3: {  	v12 =	vld [tilespmem:s17+$0x0];
	s16 =	sadd.s32 $0x1, s16  }
0x1a4: {  	p2 =	slt.s32 s16, s12;
	_ =	sdelay $0x1  }
0x1a5: {  	s24 =	sadd.s32 $0x10, s24;
	s23 =	sadd.s32 $0x10, s23  }
0x1a6: {  	v13 =	vmov s23;
	v14 =	vld [tilespmem:s24+$0x0]  }
0x1a7: {  	vm1 =	vgt.s32 v13, v11;
	vm0 =	veq.f32 v10, v12  }
.Ltmp17:
0x1a8: {  	vm2 =	vgt.f32 v10, v12;
	vm0 =	vmand vm1, vm0;
	(pc) =	sbr.rel @p2 .LBB2_14-.Ltmp17, $4  }
0x1a9: {  	vm0 =	vmor vm2, vm0  }
0x1aa: {  	v12 =	vsel vm0, $0x1, v8  }
0x1ab: {  	v12 =	vadd.s32 v12, v14  }
0x1ac: {  	s17 =	sadd.s32 $0x10, s17;
	[tilespmem:s24+$0x0] =	vst v12  }
.Ltmp18:
0x1ad: {  	_ = 	snop;
	(pc) =	sbr.rel .LBB2_15-.Ltmp18, $1  }
0x1ae: {  	_ =	sdelay $0x3  }
.LBB2_8:
0x1af: {  	s13 =	sadd.s32 $0x1, s13  }
0x1b0: {  	p2 =	sne.s32 s13, s9  }
.Ltmp19:
0x1b1: {  	_ = 	snop;
	(pc) =	sbr.rel @!p2 .LBB2_9-.Ltmp19, $1  }
0x1b2: {  	_ =	sdelay $0x3  }
.LBB2_5:
0x1b3: {  	p2 =	slt.s32 s11, $0x1  }
.Ltmp20:
0x1b4: {  	_ = 	snop;
	(pc) =	sbr.rel @p2 .LBB2_8-.Ltmp20, $1  }
0x1b5: {  	_ =	sdelay $0x3  }
0x1b6: {  	s14 =	sadd.s32 $0x220, s13  }
0x1b7: {  	v10 =	vmov s14;
	_ =	sdelay $0x3  }
0x1b8: {  	v12 =	vld [tilespmem:s25+$0x0]  }
0x1b9: {  	v11 =	vld.idx.msk [tilespmem:v10+s1+$0x0], $0xffff;
	_ =	sdelay $0x3  }
0x1ba: {  	v13 =	vor.u32 s19, v6;
	v14 =	vld [tilespmem:s18+$0x0];
	s14 =	sadd.s32 $0x1, s22  }
0x1bb: {  	vm1 =	vlt.s32 v10, v13;
	p2 =	slt.s32 s14, s12;
	vm0 =	veq.f32 v11, v12  }
.Ltmp21:
0x1bc: {  	vm2 =	vgt.f32 v11, v12;
	vm0 =	vmand vm1, vm0;
	(pc) =	sbr.rel @!p2 .LBB2_8-.Ltmp21, $4  }
0x1bd: {  	vm0 =	vmor vm2, vm0  }
0x1be: {  	v63 =	vsel vm0, $0x1, v8  }
0x1bf: {  	v12 =	vadd.s32 v63, v14  }
0x1c0: {  	s16 =	sadd.s32 $0x10, s25;
	s17 =	smov.u32 s18;
	s23 =	smov.u32 s19;
	[tilespmem:s18+$0x0] =	vst v12  }
.LBB2_7:
0x1c1: {  	v12 =	vld [tilespmem:s16+$0x0];
	s14 =	sadd.s32 $0x1, s14  }
0x1c2: {  	p2 =	slt.s32 s14, s12;
	_ =	sdelay $0x1  }
0x1c3: {  	s17 =	sadd.s32 $0x10, s17;
	s23 =	sadd.s32 $0x10, s23  }
0x1c4: {  	v13 =	vor.u32 s23, v6;
	v14 =	vld [tilespmem:s17+$0x0]  }
0x1c5: {  	vm1 =	vlt.s32 v10, v13;
	vm0 =	veq.f32 v11, v12  }
.Ltmp22:
0x1c6: {  	vm2 =	vgt.f32 v11, v12;
	vm0 =	vmand vm1, vm0;
	(pc) =	sbr.rel @p2 .LBB2_7-.Ltmp22, $4  }
0x1c7: {  	vm0 =	vmor vm2, vm0  }
0x1c8: {  	v12 =	vsel vm0, $0x1, v8  }
0x1c9: {  	v12 =	vadd.s32 v12, v14  }
0x1ca: {  	s16 =	sadd.s32 $0x10, s16;
	[tilespmem:s17+$0x0] =	vst v12  }
.Ltmp23:
0x1cb: {  	_ = 	snop;
	(pc) =	sbr.rel .LBB2_8-.Ltmp23, $1  }
0x1cc: {  	_ =	sdelay $0x3  }
.LBB2_11:
.Ltmp24:
0x1cd: {  	(pc) =	sbr.rel .LBB2_19-.Ltmp24, $2  }
0x1ce: {  	_ =	sdelay $0x2  }
0x1cf: {  	s11 =	simm.s32 $0x8A80  }
.LBB2_22:
.Ltmp25:
0x1d0: {  	(pc) =	sbr.rel .LBB2_26-.Ltmp25, $2  }
0x1d1: {  	_ =	sdelay $0x2  }
0x1d2: {  	s10 =	simm.s32 $0x8CA0  }
.LBB2_17:
.Ltmp26:
0x1d3: {  	(pc) =	sbr.rel .LBB2_19-.Ltmp26, $2  }
0x1d4: {  	_ =	sdelay $0x2  }
0x1d5: {  	s11 =	simm.s32 $0x8A80  }
.LBB2_24:
.Ltmp27:
0x1d6: {  	(pc) =	sbr.rel .LBB2_26-.Ltmp27, $2  }
0x1d7: {  	_ =	sdelay $0x2  }
0x1d8: {  	s10 =	simm.s32 $0x8CA0  }
.LBB2_30:
0x1d9: {  	_ =	sfence.sel $0x180000  }
0x1da: {  	[bflag:$0x0] =	sbarrier.arrive $0xFFFF  }
0x1db: {  	_ =	strace $0x90000047  }
0x1dc: {  	s0 =	stileid.u32;
	[bflag:$0x2] =	sbarrier.arrive $0xFFFF  }
0x1dd: {  	p0 =	sne.s32 s0, $0x0;
	s0 =	rddreg [dreg:$0x6]  }
0x1de: {  	s0 =	sadd.s32 @!p0 $0x100000, s0  }
0x1df: {  	[sflag:s0] =	ssyncadd.tile.s32 @!p0 $0x1;
	_ =	shalt  }
.Lfunc_end2:
_tile_overlayer_lowered:
.L_overlay_start_2:
0x1e0: {  	(tag) =	ssettag $0x2  }
0x1e1: {  	s0 =	rddreg [dreg:$0x0];
	s2 =	stileid.u32  }
0x1e2: {  	s1 =	rddreg [dreg:$0x1];
	p0 =	sne.s32 s2, $0x0  }
0x1e3: {  	s3 =	rddreg [dreg:$0x2];
	[bflag:$0x3] =	sbarrier.arrive $0xFFFF;
	s2 =	simm.s32 @!p0 $0x1C02  }
0x1e4: {  	[timem:s3], [sflag:s2] =	dma.local @!p0 [hbm:s0], s1  }
0x1e5: {  	s0 =	simm.s32 @!p0 $0x2  }
0x1e6: {  	_ =	swait.ge @!p0 [sflag:s0], s1  }
0x1e7: {  	s1 =	ssub.s32 @!p0 $0x0, s1;
	[sflag:s0] =	ssyncset.done @!p0 $0x0  }
0x1e8: {  	[sflag:s0] =	ssyncadd.s32 @!p0 s1  }
0x1e9: {  	[bflag:$0x3] =	sbarrier.arrive $0xFFFF  }
0x1ea: {  	_ =	shalt  }

</sc_bundles>
